<compile_context>
chip_gen: v7x
topology: tpu7x:2x2x1
jax: 0.10.2.dev20260603
libtpu: 0.0.44.dev20260713+nightly
codegen_flags: <defaults>
</compile_context>

<pallas_src>
import functools

import jax
import jax.numpy as jnp
from jax import lax
from jax.experimental import pallas as pl
from jax.experimental.pallas import tpu as pltpu
from jax.experimental.pallas import tpu_sc as plsc

_T, _B, _C = 512, 64, 1024
_TBLK = 32
_BLANK = 0

_NC, _NS, _L = 2, 16, 16
_NW = _NC * _NS
_BPW = _B // _NW
_PAD = _L


def _greedy_body(dlen_ref, x_ref, lp_ref, len_ref, pos_ref, seq_ref,
                 s_ref, eacc_ref):
    i = pl.program_id(0)

    @pl.when(i == 0)
    def _init():
        s_ref[...] = jnp.zeros((1, _B), jnp.float32)

    x = x_ref[...]
    m = jnp.max(x, axis=-1)
    dl = dlen_ref[...]
    t0 = i * _TBLK
    s = s_ref[...]
    rows = []
    for j in range(_TBLK):
        rows.append(s)
        active = (t0 + j) < dl
        s = jnp.where(active, s + m[j:j + 1, :], s)
    s_ref[...] = s
    sexc = jnp.concatenate(rows, axis=0)
    v = sexc[..., None] + x
    vm = sexc + m
    c_iota = lax.broadcasted_iota(jnp.int32, v.shape, 2)
    eacc_ref[pl.ds(t0, _TBLK), :] = jnp.min(
        jnp.where(v == vm[..., None], c_iota, _C), axis=-1)

    @pl.when(i == (_T // _TBLK) - 1)
    def _collapse():
        lp_ref[...] = -s_ref[...]
        e = eacc_ref[...].T
        dlc = dl.reshape(_B, 1)
        t_i = lax.broadcasted_iota(jnp.int32, (_B, _T), 1)
        active = t_i < dlc
        seq = jnp.where(active, e, _BLANK)
        prev = jnp.concatenate(
            [jnp.full((_B, 1), -1, jnp.int32), seq[:, :-1]], axis=1)
        keep = active & (seq != _BLANK) & (seq != prev)
        keepf = keep.astype(jnp.float32)
        r = lax.broadcasted_iota(jnp.int32, (_T, _T), 0)
        c = lax.broadcasted_iota(jnp.int32, (_T, _T), 1)
        tri = (r <= c).astype(jnp.float32)
        cs = jax.lax.dot(keepf, tri, preferred_element_type=jnp.float32)
        cs_i = cs.astype(jnp.int32)
        len_ref[...] = cs_i[:, -1:]
        sentinel = _T + (t_i & (_L - 1))
        pos_ref[...] = jnp.where(keep, cs_i - 1, sentinel)
        seq_ref[...] = seq


def _scatter_body(pos_hbm, seq_hbm, dec_hbm, pos_v, seq_v, row_v):
    wid = lax.axis_index("s") * _NC + lax.axis_index("c")
    neg1 = jnp.full((_L,), -1, jnp.int32)
    for k in range(_BPW):
        b = wid * _BPW + k
        pltpu.sync_copy(pos_hbm.at[pl.ds(b * _T, _T)], pos_v)
        pltpu.sync_copy(seq_hbm.at[pl.ds(b * _T, _T)], seq_v)
        for j in range((_T + _PAD) // _L):
            row_v[pl.ds(j * _L, _L)] = neg1
        for j in range(_T // _L):
            p = pos_v[pl.ds(j * _L, _L)]
            s = seq_v[pl.ds(j * _L, _L)]
            plsc.store_scatter(row_v, [p], s, mask=p < _T)
        pltpu.sync_copy(row_v.at[pl.ds(0, _T)], dec_hbm.at[pl.ds(b * _T, _T)])


@functools.cache
def _scatter_call():
    return pl.kernel(
        _scatter_body,
        out_type=jax.ShapeDtypeStruct((_B * _T,), jnp.int32),
        mesh=plsc.VectorSubcoreMesh(core_axis_name="c", subcore_axis_name="s",
                                    num_cores=_NC, num_subcores=_NS),
        compiler_params=pltpu.CompilerParams(needs_layout_passes=False),
        scratch_types=[
            pltpu.VMEM((_T,), jnp.int32),
            pltpu.VMEM((_T,), jnp.int32),
            pltpu.VMEM((_T + _PAD,), jnp.int32),
        ],
    )


def _greedy_call(data, dlen_row, interpret=False):
    T, B, C = data.shape
    return pl.pallas_call(
        _greedy_body,
        grid=(T // _TBLK,),
        in_specs=[
            pl.BlockSpec((1, B), lambda i: (0, 0)),
            pl.BlockSpec((_TBLK, B, C), lambda i: (i, 0, 0)),
        ],
        out_specs=[
            pl.BlockSpec((1, B), lambda i: (0, 0)),
            pl.BlockSpec((B, 1), lambda i: (0, 0)),
            pl.BlockSpec((B, T), lambda i: (0, 0)),
            pl.BlockSpec((B, T), lambda i: (0, 0)),
        ],
        out_shape=[
            jax.ShapeDtypeStruct((1, B), jnp.float32),
            jax.ShapeDtypeStruct((B, 1), jnp.int32),
            jax.ShapeDtypeStruct((B, T), jnp.int32),
            jax.ShapeDtypeStruct((B, T), jnp.int32),
        ],
        scratch_shapes=[
            pltpu.VMEM((1, B), jnp.float32),
            pltpu.VMEM((T, B), jnp.int32),
        ],
        interpret=interpret,
    )(dlen_row, data)


def kernel(data, data_length):
    T, B, C = data.shape
    dlen = data_length.astype(jnp.int32)
    lp_row, lens, pos, seq = _greedy_call(data, dlen[None, :])
    dec = _scatter_call()(pos.reshape(-1), seq.reshape(-1))
    decoded = dec.reshape(B, T)[:, None, :]
    return lp_row.reshape(B, 1), lens, decoded

# --- scband reference (transcript-rebuilt; emitter-appended) ---
"""Pipeline reference for scband-ctcinference-layer-79783312490906 (READ-ONLY COPY).

The authoritative reference and input builder live on the scoring server;
editing this copy changes nothing except your own understanding.
"""

import jax, jax.numpy as jnp
import numpy as np

BLANK_INDEX = 0
BEAM_WIDTH = 16
TOP_PATHS = 1
NEG_INF = -1.0e30


def setup_inputs(seed: int = 0) -> dict:
    key = jax.random.key(seed)
    k1, k2 = jax.random.split(key)
    T, B, C = 512, 64, 1024
    data = jax.random.normal(k1, (T, B, C), dtype=jnp.float32)
    data_length = jax.random.randint(k2, (B,), 0, 512).astype(jnp.int32)
    return {"data": data, "data_length": data_length}


def _beam_search(data, data_length):
    # from_logits=False: `data` is treated as log probabilities directly.
    T, B, C = data.shape
    W = BEAM_WIDTH
    init_scores = jnp.full((B, W), NEG_INF, dtype=data.dtype).at[:, 0].set(0.0)
    iota_w = jnp.tile(jnp.arange(W, dtype=jnp.int32)[None, :], (B, 1))

    def step(scores, xs):
        logp_t, t = xs
        cand = scores[:, :, None] + logp_t[:, None, :]  # [B, W, C]
        flat = cand.reshape(B, W * C)
        top_s, top_i = jax.lax.top_k(flat, W)
        parent = (top_i // C).astype(jnp.int32)
        emit = (top_i % C).astype(jnp.int32)
        active = (t < data_length)[:, None]
        new_scores = jnp.where(active, top_s, scores)
        parent = jnp.where(active, parent, iota_w)
        emit = jnp.where(active, emit, jnp.full_like(emit, BLANK_INDEX))
        return new_scores, (parent, emit)

    final_scores, (parents, emits) = jax.lax.scan(
        step, init_scores, (data, jnp.arange(T)))

    def back(beam, xs):
        parent_t, emit_t = xs
        lab = jnp.take_along_axis(emit_t, beam, axis=1)
        beam_prev = jnp.take_along_axis(parent_t, beam, axis=1)
        return beam_prev, lab

    _, labs = jax.lax.scan(back, iota_w, (parents, emits), reverse=True)
    # labs: [T, B, W] -- raw (uncollapsed) label emitted at each step for each
    # final beam, recovered via backpointers.
    return final_scores, labs


def reference(data, data_length):
    T, B, C = data.shape
    final_scores, labs = _beam_search(data, data_length)
    top_scores = final_scores[:, :TOP_PATHS]           # beams sorted by top_k
    seqs = jnp.transpose(labs, (1, 2, 0))[:, :TOP_PATHS, :]  # [B, P, T]

    def collapse(seq, length):
        t_idx = jnp.arange(T)
        valid = t_idx < length
        prev = jnp.concatenate([jnp.full((1,), -1, dtype=seq.dtype), seq[:-1]])
        keep = valid & (seq != BLANK_INDEX) & (seq != prev)
        pos = jnp.where(keep, jnp.cumsum(keep) - 1, T)
        out = jnp.full((T,), -1, dtype=jnp.int32)
        out = out.at[pos].set(seq.astype(jnp.int32), mode='drop')
        return out, keep.sum().astype(jnp.int32)

    decode = jax.vmap(jax.vmap(collapse, in_axes=(0, None)), in_axes=(0, 0))
    decoded, lengths = decode(seqs, data_length)
    label_probs = -top_scores  # negative log probabilities
    return label_probs, lengths, decoded

if __name__ == "__main__":
    import jax
    _d = setup_inputs()
    print(jax.jit(kernel)(*tuple(_d.values())))

</pallas_src>

<mosaic_0001>
#map = affine_map<(d0, d1) -> (0)>
module attributes {stable_mosaic.version = 14 : i64} {
  func.func @_scatter_body(%arg0: i32, %arg1: i32, %arg2: memref<32768xi32, #tpu.memory_space<hbm>>, %arg3: memref<32768xi32, #tpu.memory_space<hbm>>, %arg4: memref<32768xi32, #tpu.memory_space<hbm>>, %arg5: memref<512xi32, #tpu.memory_space<vmem>>, %arg6: memref<512xi32, #tpu.memory_space<vmem>>, %arg7: memref<528xi32, #tpu.memory_space<vmem>>) attributes {dimension_semantics = [#tpu.dimension_semantics<core_parallel>, #tpu.dimension_semantics<subcore_parallel>], iteration_bounds = array<i64: 2, 16>, scalar_prefetch = 0 : i64, scratch_operands = 3 : i64, tpu.core_type = #tpu.core_type<sc_vector_subcore>, window_params = [{transform_indices = #map}, {transform_indices = #map}, {transform_indices = #map}]} {
    %mul3A = arith.constant 2 : i32
    %mul3A_0 = arith.muli %arg1, %mul3A : i32
    %add3A = arith.addi %mul3A_0, %arg0 : i32
    %broadcast_in_dim3A = arith.constant -1 : i32
    %broadcast_in_dim3A_1 = vector.broadcast %broadcast_in_dim3A : i32 to vector<16xi32>
    %mul3A_2 = arith.constant 2 : i32
    %mul3A_3 = arith.muli %add3A, %mul3A_2 : i32
    %add3A_4 = arith.constant 0 : i32
    %add3A_5 = arith.addi %mul3A_3, %add3A_4 : i32
    %mul3A_6 = arith.constant 512 : i32
    %mul3A_7 = arith.muli %add3A_5, %mul3A_6 : i32
    "tpu.region"() ({
      %run_scoped3A = tpu.sem_alloc : memref<!tpu.dma_semaphore, #tpu.memory_space<semaphore_mem>>
      %dma_start3A = tpu.memref_slice %arg2[%mul3A_7] : memref<32768xi32, #tpu.memory_space<hbm>> -> memref<512xi32, #tpu.memory_space<hbm>>
      %dma_start3A_599 = tpu.memref_slice %arg2[%mul3A_7] : memref<32768xi32, #tpu.memory_space<hbm>> -> memref<512xi32, #tpu.memory_space<hbm>>
      tpu.enqueue_dma source(%dma_start3A_599 : memref<512xi32, #tpu.memory_space<hbm>>) target(%arg5 : memref<512xi32, #tpu.memory_space<vmem>>) target_semaphore(%run_scoped3A : memref<!tpu.dma_semaphore, #tpu.memory_space<semaphore_mem>>)
      %dma_wait3A = tpu.memref_slice %arg2[%mul3A_7] : memref<32768xi32, #tpu.memory_space<hbm>> -> memref<512xi32, #tpu.memory_space<hbm>>
      %dma_wait3A_600 = tpu.memref_slice %arg2[%mul3A_7] : memref<32768xi32, #tpu.memory_space<hbm>> -> memref<512xi32, #tpu.memory_space<hbm>>
      tpu.wait_dma2 semaphore(%run_scoped3A : memref<!tpu.dma_semaphore, #tpu.memory_space<semaphore_mem>>) src(%dma_wait3A_600 : memref<512xi32, #tpu.memory_space<hbm>>) dst(%arg5 : memref<512xi32, #tpu.memory_space<vmem>>)
      tpu.yield
    }) : () -> ()
    %mul3A_8 = arith.constant 512 : i32
    %mul3A_9 = arith.muli %add3A_5, %mul3A_8 : i32
    "tpu.region"() ({
      %run_scoped3A = tpu.sem_alloc : memref<!tpu.dma_semaphore, #tpu.memory_space<semaphore_mem>>
      %dma_start3A = tpu.memref_slice %arg3[%mul3A_9] : memref<32768xi32, #tpu.memory_space<hbm>> -> memref<512xi32, #tpu.memory_space<hbm>>
      %dma_start3A_599 = tpu.memref_slice %arg3[%mul3A_9] : memref<32768xi32, #tpu.memory_space<hbm>> -> memref<512xi32, #tpu.memory_space<hbm>>
      tpu.enqueue_dma source(%dma_start3A_599 : memref<512xi32, #tpu.memory_space<hbm>>) target(%arg6 : memref<512xi32, #tpu.memory_space<vmem>>) target_semaphore(%run_scoped3A : memref<!tpu.dma_semaphore, #tpu.memory_space<semaphore_mem>>)
      %dma_wait3A = tpu.memref_slice %arg3[%mul3A_9] : memref<32768xi32, #tpu.memory_space<hbm>> -> memref<512xi32, #tpu.memory_space<hbm>>
      %dma_wait3A_600 = tpu.memref_slice %arg3[%mul3A_9] : memref<32768xi32, #tpu.memory_space<hbm>> -> memref<512xi32, #tpu.memory_space<hbm>>
      tpu.wait_dma2 semaphore(%run_scoped3A : memref<!tpu.dma_semaphore, #tpu.memory_space<semaphore_mem>>) src(%dma_wait3A_600 : memref<512xi32, #tpu.memory_space<hbm>>) dst(%arg6 : memref<512xi32, #tpu.memory_space<vmem>>)
      tpu.yield
    }) : () -> ()
    %swap3A = arith.constant 0 : index
    %swap3A_10 = tpu.vector_load %arg7[%swap3A] {strides = array<i32>} : memref<528xi32, #tpu.memory_space<vmem>>, vector<16xi32>,
    tpu.vector_store %arg7[%swap3A], %broadcast_in_dim3A_1 {strides = array<i32>} : memref<528xi32, #tpu.memory_space<vmem>>, vector<16xi32>,
    %swap3A_11 = arith.constant 16 : index
    %swap3A_12 = tpu.vector_load %arg7[%swap3A_11] {strides = array<i32>} : memref<528xi32, #tpu.memory_space<vmem>>, vector<16xi32>,
    tpu.vector_store %arg7[%swap3A_11], %broadcast_in_dim3A_1 {strides = array<i32>} : memref<528xi32, #tpu.memory_space<vmem>>, vector<16xi32>,
    %swap3A_13 = arith.constant 32 : index
    %swap3A_14 = tpu.vector_load %arg7[%swap3A_13] {strides = array<i32>} : memref<528xi32, #tpu.memory_space<vmem>>, vector<16xi32>,
    tpu.vector_store %arg7[%swap3A_13], %broadcast_in_dim3A_1 {strides = array<i32>} : memref<528xi32, #tpu.memory_space<vmem>>, vector<16xi32>,
    %swap3A_15 = arith.constant 48 : index
    %swap3A_16 = tpu.vector_load %arg7[%swap3A_15] {strides = array<i32>} : memref<528xi32, #tpu.memory_space<vmem>>, vector<16xi32>,
    tpu.vector_store %arg7[%swap3A_15], %broadcast_in_dim3A_1 {strides = array<i32>} : memref<528xi32, #tpu.memory_space<vmem>>, vector<16xi32>,
    %swap3A_17 = arith.constant 64 : index
    %swap3A_18 = tpu.vector_load %arg7[%swap3A_17] {strides = array<i32>} : memref<528xi32, #tpu.memory_space<vmem>>, vector<16xi32>,
    tpu.vector_store %arg7[%swap3A_17], %broadcast_in_dim3A_1 {strides = array<i32>} : memref<528xi32, #tpu.memory_space<vmem>>, vector<16xi32>,
    %swap3A_19 = arith.constant 80 : index
    %swap3A_20 = tpu.vector_load %arg7[%swap3A_19] {strides = array<i32>} : memref<528xi32, #tpu.memory_space<vmem>>, vector<16xi32>,
    tpu.vector_store %arg7[%swap3A_19], %broadcast_in_dim3A_1 {strides = array<i32>} : memref<528xi32, #tpu.memory_space<vmem>>, vector<16xi32>,
    %swap3A_21 = arith.constant 96 : index
    %swap3A_22 = tpu.vector_load %arg7[%swap3A_21] {strides = array<i32>} : memref<528xi32, #tpu.memory_space<vmem>>, vector<16xi32>,
    tpu.vector_store %arg7[%swap3A_21], %broadcast_in_dim3A_1 {strides = array<i32>} : memref<528xi32, #tpu.memory_space<vmem>>, vector<16xi32>,
    %swap3A_23 = arith.constant 112 : index
    %swap3A_24 = tpu.vector_load %arg7[%swap3A_23] {strides = array<i32>} : memref<528xi32, #tpu.memory_space<vmem>>, vector<16xi32>,
    tpu.vector_store %arg7[%swap3A_23], %broadcast_in_dim3A_1 {strides = array<i32>} : memref<528xi32, #tpu.memory_space<vmem>>, vector<16xi32>,
    %swap3A_25 = arith.constant 128 : index
    %swap3A_26 = tpu.vector_load %arg7[%swap3A_25] {strides = array<i32>} : memref<528xi32, #tpu.memory_space<vmem>>, vector<16xi32>,
    tpu.vector_store %arg7[%swap3A_25], %broadcast_in_dim3A_1 {strides = array<i32>} : memref<528xi32, #tpu.memory_space<vmem>>, vector<16xi32>,
    %swap3A_27 = arith.constant 144 : index
    %swap3A_28 = tpu.vector_load %arg7[%swap3A_27] {strides = array<i32>} : memref<528xi32, #tpu.memory_space<vmem>>, vector<16xi32>,
    tpu.vector_store %arg7[%swap3A_27], %broadcast_in_dim3A_1 {strides = array<i32>} : memref<528xi32, #tpu.memory_space<vmem>>, vector<16xi32>,
    %swap3A_29 = arith.constant 160 : index
    %swap3A_30 = tpu.vector_load %arg7[%swap3A_29] {strides = array<i32>} : memref<528xi32, #tpu.memory_space<vmem>>, vector<16xi32>,
    tpu.vector_store %arg7[%swap3A_29], %broadcast_in_dim3A_1 {strides = array<i32>} : memref<528xi32, #tpu.memory_space<vmem>>, vector<16xi32>,
    %swap3A_31 = arith.constant 176 : index
    %swap3A_32 = tpu.vector_load %arg7[%swap3A_31] {strides = array<i32>} : memref<528xi32, #tpu.memory_space<vmem>>, vector<16xi32>,
    tpu.vector_store %arg7[%swap3A_31], %broadcast_in_dim3A_1 {strides = array<i32>} : memref<528xi32, #tpu.memory_space<vmem>>, vector<16xi32>,
    %swap3A_33 = arith.constant 192 : index
    %swap3A_34 = tpu.vector_load %arg7[%swap3A_33] {strides = array<i32>} : memref<528xi32, #tpu.memory_space<vmem>>, vector<16xi32>,
    tpu.vector_store %arg7[%swap3A_33], %broadcast_in_dim3A_1 {strides = array<i32>} : memref<528xi32, #tpu.memory_space<vmem>>, vector<16xi32>,
    %swap3A_35 = arith.constant 208 : index
    %swap3A_36 = tpu.vector_load %arg7[%swap3A_35] {strides = array<i32>} : memref<528xi32, #tpu.memory_space<vmem>>, vector<16xi32>,
    tpu.vector_store %arg7[%swap3A_35], %broadcast_in_dim3A_1 {strides = array<i32>} : memref<528xi32, #tpu.memory_space<vmem>>, vector<16xi32>,
    %swap3A_37 = arith.constant 224 : index
    %swap3A_38 = tpu.vector_load %arg7[%swap3A_37] {strides = array<i32>} : memref<528xi32, #tpu.memory_space<vmem>>, vector<16xi32>,
    tpu.vector_store %arg7[%swap3A_37], %broadcast_in_dim3A_1 {strides = array<i32>} : memref<528xi32, #tpu.memory_space<vmem>>, vector<16xi32>,
    %swap3A_39 = arith.constant 240 : index
    %swap3A_40 = tpu.vector_load %arg7[%swap3A_39] {strides = array<i32>} : memref<528xi32, #tpu.memory_space<vmem>>, vector<16xi32>,
    tpu.vector_store %arg7[%swap3A_39], %broadcast_in_dim3A_1 {strides = array<i32>} : memref<528xi32, #tpu.memory_space<vmem>>, vector<16xi32>,
    %swap3A_41 = arith.constant 256 : index
    %swap3A_42 = tpu.vector_load %arg7[%swap3A_41] {strides = array<i32>} : memref<528xi32, #tpu.memory_space<vmem>>, vector<16xi32>,
    tpu.vector_store %arg7[%swap3A_41], %broadcast_in_dim3A_1 {strides = array<i32>} : memref<528xi32, #tpu.memory_space<vmem>>, vector<16xi32>,
    %swap3A_43 = arith.constant 272 : index
    %swap3A_44 = tpu.vector_load %arg7[%swap3A_43] {strides = array<i32>} : memref<528xi32, #tpu.memory_space<vmem>>, vector<16xi32>,
    tpu.vector_store %arg7[%swap3A_43], %broadcast_in_dim3A_1 {strides = array<i32>} : memref<528xi32, #tpu.memory_space<vmem>>, vector<16xi32>,
    %swap3A_45 = arith.constant 288 : index
    %swap3A_46 = tpu.vector_load %arg7[%swap3A_45] {strides = array<i32>} : memref<528xi32, #tpu.memory_space<vmem>>, vector<16xi32>,
    tpu.vector_store %arg7[%swap3A_45], %broadcast_in_dim3A_1 {strides = array<i32>} : memref<528xi32, #tpu.memory_space<vmem>>, vector<16xi32>,
    %swap3A_47 = arith.constant 304 : index
    %swap3A_48 = tpu.vector_load %arg7[%swap3A_47] {strides = array<i32>} : memref<528xi32, #tpu.memory_space<vmem>>, vector<16xi32>,
    tpu.vector_store %arg7[%swap3A_47], %broadcast_in_dim3A_1 {strides = array<i32>} : memref<528xi32, #tpu.memory_space<vmem>>, vector<16xi32>,
    %swap3A_49 = arith.constant 320 : index
    %swap3A_50 = tpu.vector_load %arg7[%swap3A_49] {strides = array<i32>} : memref<528xi32, #tpu.memory_space<vmem>>, vector<16xi32>,
    tpu.vector_store %arg7[%swap3A_49], %broadcast_in_dim3A_1 {strides = array<i32>} : memref<528xi32, #tpu.memory_space<vmem>>, vector<16xi32>,
    %swap3A_51 = arith.constant 336 : index
    %swap3A_52 = tpu.vector_load %arg7[%swap3A_51] {strides = array<i32>} : memref<528xi32, #tpu.memory_space<vmem>>, vector<16xi32>,
    tpu.vector_store %arg7[%swap3A_51], %broadcast_in_dim3A_1 {strides = array<i32>} : memref<528xi32, #tpu.memory_space<vmem>>, vector<16xi32>,
    %swap3A_53 = arith.constant 352 : index
    %swap3A_54 = tpu.vector_load %arg7[%swap3A_53] {strides = array<i32>} : memref<528xi32, #tpu.memory_space<vmem>>, vector<16xi32>,
    tpu.vector_store %arg7[%swap3A_53], %broadcast_in_dim3A_1 {strides = array<i32>} : memref<528xi32, #tpu.memory_space<vmem>>, vector<16xi32>,
    %swap3A_55 = arith.constant 368 : index
    %swap3A_56 = tpu.vector_load %arg7[%swap3A_55] {strides = array<i32>} : memref<528xi32, #tpu.memory_space<vmem>>, vector<16xi32>,
    tpu.vector_store %arg7[%swap3A_55], %broadcast_in_dim3A_1 {strides = array<i32>} : memref<528xi32, #tpu.memory_space<vmem>>, vector<16xi32>,
    %swap3A_57 = arith.constant 384 : index
    %swap3A_58 = tpu.vector_load %arg7[%swap3A_57] {strides = array<i32>} : memref<528xi32, #tpu.memory_space<vmem>>, vector<16xi32>,
    tpu.vector_store %arg7[%swap3A_57], %broadcast_in_dim3A_1 {strides = array<i32>} : memref<528xi32, #tpu.memory_space<vmem>>, vector<16xi32>,
    %swap3A_59 = arith.constant 400 : index
    %swap3A_60 = tpu.vector_load %arg7[%swap3A_59] {strides = array<i32>} : memref<528xi32, #tpu.memory_space<vmem>>, vector<16xi32>,
    tpu.vector_store %arg7[%swap3A_59], %broadcast_in_dim3A_1 {strides = array<i32>} : memref<528xi32, #tpu.memory_space<vmem>>, vector<16xi32>,
    %swap3A_61 = arith.constant 416 : index
    %swap3A_62 = tpu.vector_load %arg7[%swap3A_61] {strides = array<i32>} : memref<528xi32, #tpu.memory_space<vmem>>, vector<16xi32>,
    tpu.vector_store %arg7[%swap3A_61], %broadcast_in_dim3A_1 {strides = array<i32>} : memref<528xi32, #tpu.memory_space<vmem>>, vector<16xi32>,
    %swap3A_63 = arith.constant 432 : index
    %swap3A_64 = tpu.vector_load %arg7[%swap3A_63] {strides = array<i32>} : memref<528xi32, #tpu.memory_space<vmem>>, vector<16xi32>,
    tpu.vector_store %arg7[%swap3A_63], %broadcast_in_dim3A_1 {strides = array<i32>} : memref<528xi32, #tpu.memory_space<vmem>>, vector<16xi32>,
    %swap3A_65 = arith.constant 448 : index
    %swap3A_66 = tpu.vector_load %arg7[%swap3A_65] {strides = array<i32>} : memref<528xi32, #tpu.memory_space<vmem>>, vector<16xi32>,
    tpu.vector_store %arg7[%swap3A_65], %broadcast_in_dim3A_1 {strides = array<i32>} : memref<528xi32, #tpu.memory_space<vmem>>, vector<16xi32>,
    %swap3A_67 = arith.constant 464 : index
    %swap3A_68 = tpu.vector_load %arg7[%swap3A_67] {strides = array<i32>} : memref<528xi32, #tpu.memory_space<vmem>>, vector<16xi32>,
    tpu.vector_store %arg7[%swap3A_67], %broadcast_in_dim3A_1 {strides = array<i32>} : memref<528xi32, #tpu.memory_space<vmem>>, vector<16xi32>,
    %swap3A_69 = arith.constant 480 : index
    %swap3A_70 = tpu.vector_load %arg7[%swap3A_69] {strides = array<i32>} : memref<528xi32, #tpu.memory_space<vmem>>, vector<16xi32>,
    tpu.vector_store %arg7[%swap3A_69], %broadcast_in_dim3A_1 {strides = array<i32>} : memref<528xi32, #tpu.memory_space<vmem>>, vector<16xi32>,
    %swap3A_71 = arith.constant 496 : index
    %swap3A_72 = tpu.vector_load %arg7[%swap3A_71] {strides = array<i32>} : memref<528xi32, #tpu.memory_space<vmem>>, vector<16xi32>,
    tpu.vector_store %arg7[%swap3A_71], %broadcast_in_dim3A_1 {strides = array<i32>} : memref<528xi32, #tpu.memory_space<vmem>>, vector<16xi32>,
    %swap3A_73 = arith.constant 512 : index
    %swap3A_74 = tpu.vector_load %arg7[%swap3A_73] {strides = array<i32>} : memref<528xi32, #tpu.memory_space<vmem>>, vector<16xi32>,
    tpu.vector_store %arg7[%swap3A_73], %broadcast_in_dim3A_1 {strides = array<i32>} : memref<528xi32, #tpu.memory_space<vmem>>, vector<16xi32>,
    %get3A = arith.constant 0 : index
    %get3A_75 = tpu.vector_load %arg5[%get3A] {strides = array<i32>} : memref<512xi32, #tpu.memory_space<vmem>>, vector<16xi32>,
    %get3A_76 = arith.constant 0 : index
    %get3A_77 = tpu.vector_load %arg6[%get3A_76] {strides = array<i32>} : memref<512xi32, #tpu.memory_space<vmem>>, vector<16xi32>,
    %lt3A = arith.constant 512 : i32
    %lt3A_78 = vector.broadcast %lt3A : i32 to vector<16xi32>
    %lt3A_79 = arith.cmpi slt, %get3A_75, %lt3A_78 : vector<16xi32>
    tpu.vector_store_idx %arg7[%get3A_75], %get3A_77 masked %lt3A_79 : memref<528xi32, #tpu.memory_space<vmem>>[vector<16xi32>], vector<16xi32>, vector<16xi1>
    %get3A_80 = arith.constant 16 : index
    %get3A_81 = tpu.vector_load %arg5[%get3A_80] {strides = array<i32>} : memref<512xi32, #tpu.memory_space<vmem>>, vector<16xi32>,
    %get3A_82 = arith.constant 16 : index
    %get3A_83 = tpu.vector_load %arg6[%get3A_82] {strides = array<i32>} : memref<512xi32, #tpu.memory_space<vmem>>, vector<16xi32>,
    %lt3A_84 = arith.constant 512 : i32
    %lt3A_85 = vector.broadcast %lt3A_84 : i32 to vector<16xi32>
    %lt3A_86 = arith.cmpi slt, %get3A_81, %lt3A_85 : vector<16xi32>
    tpu.vector_store_idx %arg7[%get3A_81], %get3A_83 masked %lt3A_86 : memref<528xi32, #tpu.memory_space<vmem>>[vector<16xi32>], vector<16xi32>, vector<16xi1>
    %get3A_87 = arith.constant 32 : index
    %get3A_88 = tpu.vector_load %arg5[%get3A_87] {strides = array<i32>} : memref<512xi32, #tpu.memory_space<vmem>>, vector<16xi32>,
    %get3A_89 = arith.constant 32 : index
    %get3A_90 = tpu.vector_load %arg6[%get3A_89] {strides = array<i32>} : memref<512xi32, #tpu.memory_space<vmem>>, vector<16xi32>,
    %lt3A_91 = arith.constant 512 : i32
    %lt3A_92 = vector.broadcast %lt3A_91 : i32 to vector<16xi32>
    %lt3A_93 = arith.cmpi slt, %get3A_88, %lt3A_92 : vector<16xi32>
    tpu.vector_store_idx %arg7[%get3A_88], %get3A_90 masked %lt3A_93 : memref<528xi32, #tpu.memory_space<vmem>>[vector<16xi32>], vector<16xi32>, vector<16xi1>
    %get3A_94 = arith.constant 48 : index
    %get3A_95 = tpu.vector_load %arg5[%get3A_94] {strides = array<i32>} : memref<512xi32, #tpu.memory_space<vmem>>, vector<16xi32>,
    %get3A_96 = arith.constant 48 : index
    %get3A_97 = tpu.vector_load %arg6[%get3A_96] {strides = array<i32>} : memref<512xi32, #tpu.memory_space<vmem>>, vector<16xi32>,
    %lt3A_98 = arith.constant 512 : i32
    %lt3A_99 = vector.broadcast %lt3A_98 : i32 to vector<16xi32>
    %lt3A_100 = arith.cmpi slt, %get3A_95, %lt3A_99 : vector<16xi32>
    tpu.vector_store_idx %arg7[%get3A_95], %get3A_97 masked %lt3A_100 : memref<528xi32, #tpu.memory_space<vmem>>[vector<16xi32>], vector<16xi32>, vector<16xi1>
    %get3A_101 = arith.constant 64 : index
    %get3A_102 = tpu.vector_load %arg5[%get3A_101] {strides = array<i32>} : memref<512xi32, #tpu.memory_space<vmem>>, vector<16xi32>,
    %get3A_103 = arith.constant 64 : index
    %get3A_104 = tpu.vector_load %arg6[%get3A_103] {strides = array<i32>} : memref<512xi32, #tpu.memory_space<vmem>>, vector<16xi32>,
    %lt3A_105 = arith.constant 512 : i32
    %lt3A_106 = vector.broadcast %lt3A_105 : i32 to vector<16xi32>
    %lt3A_107 = arith.cmpi slt, %get3A_102, %lt3A_106 : vector<16xi32>
    tpu.vector_store_idx %arg7[%get3A_102], %get3A_104 masked %lt3A_107 : memref<528xi32, #tpu.memory_space<vmem>>[vector<16xi32>], vector<16xi32>, vector<16xi1>
    %get3A_108 = arith.constant 80 : index
    %get3A_109 = tpu.vector_load %arg5[%get3A_108] {strides = array<i32>} : memref<512xi32, #tpu.memory_space<vmem>>, vector<16xi32>,
    %get3A_110 = arith.constant 80 : index
    %get3A_111 = tpu.vector_load %arg6[%get3A_110] {strides = array<i32>} : memref<512xi32, #tpu.memory_space<vmem>>, vector<16xi32>,
    %lt3A_112 = arith.constant 512 : i32
    %lt3A_113 = vector.broadcast %lt3A_112 : i32 to vector<16xi32>
    %lt3A_114 = arith.cmpi slt, %get3A_109, %lt3A_113 : vector<16xi32>
    tpu.vector_store_idx %arg7[%get3A_109], %get3A_111 masked %lt3A_114 : memref<528xi32, #tpu.memory_space<vmem>>[vector<16xi32>], vector<16xi32>, vector<16xi1>
    %get3A_115 = arith.constant 96 : index
    %get3A_116 = tpu.vector_load %arg5[%get3A_115] {strides = array<i32>} : memref<512xi32, #tpu.memory_space<vmem>>, vector<16xi32>,
    %get3A_117 = arith.constant 96 : index
    %get3A_118 = tpu.vector_load %arg6[%get3A_117] {strides = array<i32>} : memref<512xi32, #tpu.memory_space<vmem>>, vector<16xi32>,
    %lt3A_119 = arith.constant 512 : i32
    %lt3A_120 = vector.broadcast %lt3A_119 : i32 to vector<16xi32>
    %lt3A_121 = arith.cmpi slt, %get3A_116, %lt3A_120 : vector<16xi32>
    tpu.vector_store_idx %arg7[%get3A_116], %get3A_118 masked %lt3A_121 : memref<528xi32, #tpu.memory_space<vmem>>[vector<16xi32>], vector<16xi32>, vector<16xi1>
    %get3A_122 = arith.constant 112 : index
    %get3A_123 = tpu.vector_load %arg5[%get3A_122] {strides = array<i32>} : memref<512xi32, #tpu.memory_space<vmem>>, vector<16xi32>,
    %get3A_124 = arith.constant 112 : index
    %get3A_125 = tpu.vector_load %arg6[%get3A_124] {strides = array<i32>} : memref<512xi32, #tpu.memory_space<vmem>>, vector<16xi32>,
    %lt3A_126 = arith.constant 512 : i32
    %lt3A_127 = vector.broadcast %lt3A_126 : i32 to vector<16xi32>
    %lt3A_128 = arith.cmpi slt, %get3A_123, %lt3A_127 : vector<16xi32>
    tpu.vector_store_idx %arg7[%get3A_123], %get3A_125 masked %lt3A_128 : memref<528xi32, #tpu.memory_space<vmem>>[vector<16xi32>], vector<16xi32>, vector<16xi1>
    %get3A_129 = arith.constant 128 : index
    %get3A_130 = tpu.vector_load %arg5[%get3A_129] {strides = array<i32>} : memref<512xi32, #tpu.memory_space<vmem>>, vector<16xi32>,
    %get3A_131 = arith.constant 128 : index
    %get3A_132 = tpu.vector_load %arg6[%get3A_131] {strides = array<i32>} : memref<512xi32, #tpu.memory_space<vmem>>, vector<16xi32>,
    %lt3A_133 = arith.constant 512 : i32
    %lt3A_134 = vector.broadcast %lt3A_133 : i32 to vector<16xi32>
    %lt3A_135 = arith.cmpi slt, %get3A_130, %lt3A_134 : vector<16xi32>
    tpu.vector_store_idx %arg7[%get3A_130], %get3A_132 masked %lt3A_135 : memref<528xi32, #tpu.memory_space<vmem>>[vector<16xi32>], vector<16xi32>, vector<16xi1>
    %get3A_136 = arith.constant 144 : index
    %get3A_137 = tpu.vector_load %arg5[%get3A_136] {strides = array<i32>} : memref<512xi32, #tpu.memory_space<vmem>>, vector<16xi32>,
    %get3A_138 = arith.constant 144 : index
    %get3A_139 = tpu.vector_load %arg6[%get3A_138] {strides = array<i32>} : memref<512xi32, #tpu.memory_space<vmem>>, vector<16xi32>,
    %lt3A_140 = arith.constant 512 : i32
    %lt3A_141 = vector.broadcast %lt3A_140 : i32 to vector<16xi32>
    %lt3A_142 = arith.cmpi slt, %get3A_137, %lt3A_141 : vector<16xi32>
    tpu.vector_store_idx %arg7[%get3A_137], %get3A_139 masked %lt3A_142 : memref<528xi32, #tpu.memory_space<vmem>>[vector<16xi32>], vector<16xi32>, vector<16xi1>
    %get3A_143 = arith.constant 160 : index
    %get3A_144 = tpu.vector_load %arg5[%get3A_143] {strides = array<i32>} : memref<512xi32, #tpu.memory_space<vmem>>, vector<16xi32>,
    %get3A_145 = arith.constant 160 : index
    %get3A_146 = tpu.vector_load %arg6[%get3A_145] {strides = array<i32>} : memref<512xi32, #tpu.memory_space<vmem>>, vector<16xi32>,
    %lt3A_147 = arith.constant 512 : i32
    %lt3A_148 = vector.broadcast %lt3A_147 : i32 to vector<16xi32>
    %lt3A_149 = arith.cmpi slt, %get3A_144, %lt3A_148 : vector<16xi32>
    tpu.vector_store_idx %arg7[%get3A_144], %get3A_146 masked %lt3A_149 : memref<528xi32, #tpu.memory_space<vmem>>[vector<16xi32>], vector<16xi32>, vector<16xi1>
    %get3A_150 = arith.constant 176 : index
    %get3A_151 = tpu.vector_load %arg5[%get3A_150] {strides = array<i32>} : memref<512xi32, #tpu.memory_space<vmem>>, vector<16xi32>,
    %get3A_152 = arith.constant 176 : index
    %get3A_153 = tpu.vector_load %arg6[%get3A_152] {strides = array<i32>} : memref<512xi32, #tpu.memory_space<vmem>>, vector<16xi32>,
    %lt3A_154 = arith.constant 512 : i32
    %lt3A_155 = vector.broadcast %lt3A_154 : i32 to vector<16xi32>
    %lt3A_156 = arith.cmpi slt, %get3A_151, %lt3A_155 : vector<16xi32>
    tpu.vector_store_idx %arg7[%get3A_151], %get3A_153 masked %lt3A_156 : memref<528xi32, #tpu.memory_space<vmem>>[vector<16xi32>], vector<16xi32>, vector<16xi1>
    %get3A_157 = arith.constant 192 : index
    %get3A_158 = tpu.vector_load %arg5[%get3A_157] {strides = array<i32>} : memref<512xi32, #tpu.memory_space<vmem>>, vector<16xi32>,
    %get3A_159 = arith.constant 192 : index
    %get3A_160 = tpu.vector_load %arg6[%get3A_159] {strides = array<i32>} : memref<512xi32, #tpu.memory_space<vmem>>, vector<16xi32>,
    %lt3A_161 = arith.constant 512 : i32
    %lt3A_162 = vector.broadcast %lt3A_161 : i32 to vector<16xi32>
    %lt3A_163 = arith.cmpi slt, %get3A_158, %lt3A_162 : vector<16xi32>
    tpu.vector_store_idx %arg7[%get3A_158], %get3A_160 masked %lt3A_163 : memref<528xi32, #tpu.memory_space<vmem>>[vector<16xi32>], vector<16xi32>, vector<16xi1>
    %get3A_164 = arith.constant 208 : index
    %get3A_165 = tpu.vector_load %arg5[%get3A_164] {strides = array<i32>} : memref<512xi32, #tpu.memory_space<vmem>>, vector<16xi32>,
    %get3A_166 = arith.constant 208 : index
    %get3A_167 = tpu.vector_load %arg6[%get3A_166] {strides = array<i32>} : memref<512xi32, #tpu.memory_space<vmem>>, vector<16xi32>,
    %lt3A_168 = arith.constant 512 : i32
    %lt3A_169 = vector.broadcast %lt3A_168 : i32 to vector<16xi32>
    %lt3A_170 = arith.cmpi slt, %get3A_165, %lt3A_169 : vector<16xi32>
    tpu.vector_store_idx %arg7[%get3A_165], %get3A_167 masked %lt3A_170 : memref<528xi32, #tpu.memory_space<vmem>>[vector<16xi32>], vector<16xi32>, vector<16xi1>
    %get3A_171 = arith.constant 224 : index
    %get3A_172 = tpu.vector_load %arg5[%get3A_171] {strides = array<i32>} : memref<512xi32, #tpu.memory_space<vmem>>, vector<16xi32>,
    %get3A_173 = arith.constant 224 : index
    %get3A_174 = tpu.vector_load %arg6[%get3A_173] {strides = array<i32>} : memref<512xi32, #tpu.memory_space<vmem>>, vector<16xi32>,
    %lt3A_175 = arith.constant 512 : i32
    %lt3A_176 = vector.broadcast %lt3A_175 : i32 to vector<16xi32>
    %lt3A_177 = arith.cmpi slt, %get3A_172, %lt3A_176 : vector<16xi32>
    tpu.vector_store_idx %arg7[%get3A_172], %get3A_174 masked %lt3A_177 : memref<528xi32, #tpu.memory_space<vmem>>[vector<16xi32>], vector<16xi32>, vector<16xi1>
    %get3A_178 = arith.constant 240 : index
    %get3A_179 = tpu.vector_load %arg5[%get3A_178] {strides = array<i32>} : memref<512xi32, #tpu.memory_space<vmem>>, vector<16xi32>,
    %get3A_180 = arith.constant 240 : index
    %get3A_181 = tpu.vector_load %arg6[%get3A_180] {strides = array<i32>} : memref<512xi32, #tpu.memory_space<vmem>>, vector<16xi32>,
    %lt3A_182 = arith.constant 512 : i32
    %lt3A_183 = vector.broadcast %lt3A_182 : i32 to vector<16xi32>
    %lt3A_184 = arith.cmpi slt, %get3A_179, %lt3A_183 : vector<16xi32>
    tpu.vector_store_idx %arg7[%get3A_179], %get3A_181 masked %lt3A_184 : memref<528xi32, #tpu.memory_space<vmem>>[vector<16xi32>], vector<16xi32>, vector<16xi1>
    %get3A_185 = arith.constant 256 : index
    %get3A_186 = tpu.vector_load %arg5[%get3A_185] {strides = array<i32>} : memref<512xi32, #tpu.memory_space<vmem>>, vector<16xi32>,
    %get3A_187 = arith.constant 256 : index
    %get3A_188 = tpu.vector_load %arg6[%get3A_187] {strides = array<i32>} : memref<512xi32, #tpu.memory_space<vmem>>, vector<16xi32>,
    %lt3A_189 = arith.constant 512 : i32
    %lt3A_190 = vector.broadcast %lt3A_189 : i32 to vector<16xi32>
    %lt3A_191 = arith.cmpi slt, %get3A_186, %lt3A_190 : vector<16xi32>
    tpu.vector_store_idx %arg7[%get3A_186], %get3A_188 masked %lt3A_191 : memref<528xi32, #tpu.memory_space<vmem>>[vector<16xi32>], vector<16xi32>, vector<16xi1>
    %get3A_192 = arith.constant 272 : index
    %get3A_193 = tpu.vector_load %arg5[%get3A_192] {strides = array<i32>} : memref<512xi32, #tpu.memory_space<vmem>>, vector<16xi32>,
    %get3A_194 = arith.constant 272 : index
    %get3A_195 = tpu.vector_load %arg6[%get3A_194] {strides = array<i32>} : memref<512xi32, #tpu.memory_space<vmem>>, vector<16xi32>,
    %lt3A_196 = arith.constant 512 : i32
    %lt3A_197 = vector.broadcast %lt3A_196 : i32 to vector<16xi32>
    %lt3A_198 = arith.cmpi slt, %get3A_193, %lt3A_197 : vector<16xi32>
    tpu.vector_store_idx %arg7[%get3A_193], %get3A_195 masked %lt3A_198 : memref<528xi32, #tpu.memory_space<vmem>>[vector<16xi32>], vector<16xi32>, vector<16xi1>
    %get3A_199 = arith.constant 288 : index
    %get3A_200 = tpu.vector_load %arg5[%get3A_199] {strides = array<i32>} : memref<512xi32, #tpu.memory_space<vmem>>, vector<16xi32>,
    %get3A_201 = arith.constant 288 : index
    %get3A_202 = tpu.vector_load %arg6[%get3A_201] {strides = array<i32>} : memref<512xi32, #tpu.memory_space<vmem>>, vector<16xi32>,
    %lt3A_203 = arith.constant 512 : i32
    %lt3A_204 = vector.broadcast %lt3A_203 : i32 to vector<16xi32>
    %lt3A_205 = arith.cmpi slt, %get3A_200, %lt3A_204 : vector<16xi32>
    tpu.vector_store_idx %arg7[%get3A_200], %get3A_202 masked %lt3A_205 : memref<528xi32, #tpu.memory_space<vmem>>[vector<16xi32>], vector<16xi32>, vector<16xi1>
    %get3A_206 = arith.constant 304 : index
    %get3A_207 = tpu.vector_load %arg5[%get3A_206] {strides = array<i32>} : memref<512xi32, #tpu.memory_space<vmem>>, vector<16xi32>,
    %get3A_208 = arith.constant 304 : index
    %get3A_209 = tpu.vector_load %arg6[%get3A_208] {strides = array<i32>} : memref<512xi32, #tpu.memory_space<vmem>>, vector<16xi32>,
    %lt3A_210 = arith.constant 512 : i32
    %lt3A_211 = vector.broadcast %lt3A_210 : i32 to vector<16xi32>
    %lt3A_212 = arith.cmpi slt, %get3A_207, %lt3A_211 : vector<16xi32>
    tpu.vector_store_idx %arg7[%get3A_207], %get3A_209 masked %lt3A_212 : memref<528xi32, #tpu.memory_space<vmem>>[vector<16xi32>], vector<16xi32>, vector<16xi1>
    %get3A_213 = arith.constant 320 : index
    %get3A_214 = tpu.vector_load %arg5[%get3A_213] {strides = array<i32>} : memref<512xi32, #tpu.memory_space<vmem>>, vector<16xi32>,
    %get3A_215 = arith.constant 320 : index
    %get3A_216 = tpu.vector_load %arg6[%get3A_215] {strides = array<i32>} : memref<512xi32, #tpu.memory_space<vmem>>, vector<16xi32>,
    %lt3A_217 = arith.constant 512 : i32
    %lt3A_218 = vector.broadcast %lt3A_217 : i32 to vector<16xi32>
    %lt3A_219 = arith.cmpi slt, %get3A_214, %lt3A_218 : vector<16xi32>
    tpu.vector_store_idx %arg7[%get3A_214], %get3A_216 masked %lt3A_219 : memref<528xi32, #tpu.memory_space<vmem>>[vector<16xi32>], vector<16xi32>, vector<16xi1>
    %get3A_220 = arith.constant 336 : index
    %get3A_221 = tpu.vector_load %arg5[%get3A_220] {strides = array<i32>} : memref<512xi32, #tpu.memory_space<vmem>>, vector<16xi32>,
    %get3A_222 = arith.constant 336 : index
    %get3A_223 = tpu.vector_load %arg6[%get3A_222] {strides = array<i32>} : memref<512xi32, #tpu.memory_space<vmem>>, vector<16xi32>,
    %lt3A_224 = arith.constant 512 : i32
    %lt3A_225 = vector.broadcast %lt3A_224 : i32 to vector<16xi32>
    %lt3A_226 = arith.cmpi slt, %get3A_221, %lt3A_225 : vector<16xi32>
    tpu.vector_store_idx %arg7[%get3A_221], %get3A_223 masked %lt3A_226 : memref<528xi32, #tpu.memory_space<vmem>>[vector<16xi32>], vector<16xi32>, vector<16xi1>
    %get3A_227 = arith.constant 352 : index
    %get3A_228 = tpu.vector_load %arg5[%get3A_227] {strides = array<i32>} : memref<512xi32, #tpu.memory_space<vmem>>, vector<16xi32>,
    %get3A_229 = arith.constant 352 : index
    %get3A_230 = tpu.vector_load %arg6[%get3A_229] {strides = array<i32>} : memref<512xi32, #tpu.memory_space<vmem>>, vector<16xi32>,
    %lt3A_231 = arith.constant 512 : i32
    %lt3A_232 = vector.broadcast %lt3A_231 : i32 to vector<16xi32>
    %lt3A_233 = arith.cmpi slt, %get3A_228, %lt3A_232 : vector<16xi32>
    tpu.vector_store_idx %arg7[%get3A_228], %get3A_230 masked %lt3A_233 : memref<528xi32, #tpu.memory_space<vmem>>[vector<16xi32>], vector<16xi32>, vector<16xi1>
    %get3A_234 = arith.constant 368 : index
    %get3A_235 = tpu.vector_load %arg5[%get3A_234] {strides = array<i32>} : memref<512xi32, #tpu.memory_space<vmem>>, vector<16xi32>,
    %get3A_236 = arith.constant 368 : index
    %get3A_237 = tpu.vector_load %arg6[%get3A_236] {strides = array<i32>} : memref<512xi32, #tpu.memory_space<vmem>>, vector<16xi32>,
    %lt3A_238 = arith.constant 512 : i32
    %lt3A_239 = vector.broadcast %lt3A_238 : i32 to vector<16xi32>
    %lt3A_240 = arith.cmpi slt, %get3A_235, %lt3A_239 : vector<16xi32>
    tpu.vector_store_idx %arg7[%get3A_235], %get3A_237 masked %lt3A_240 : memref<528xi32, #tpu.memory_space<vmem>>[vector<16xi32>], vector<16xi32>, vector<16xi1>
    %get3A_241 = arith.constant 384 : index
    %get3A_242 = tpu.vector_load %arg5[%get3A_241] {strides = array<i32>} : memref<512xi32, #tpu.memory_space<vmem>>, vector<16xi32>,
    %get3A_243 = arith.constant 384 : index
    %get3A_244 = tpu.vector_load %arg6[%get3A_243] {strides = array<i32>} : memref<512xi32, #tpu.memory_space<vmem>>, vector<16xi32>,
    %lt3A_245 = arith.constant 512 : i32
    %lt3A_246 = vector.broadcast %lt3A_245 : i32 to vector<16xi32>
    %lt3A_247 = arith.cmpi slt, %get3A_242, %lt3A_246 : vector<16xi32>
    tpu.vector_store_idx %arg7[%get3A_242], %get3A_244 masked %lt3A_247 : memref<528xi32, #tpu.memory_space<vmem>>[vector<16xi32>], vector<16xi32>, vector<16xi1>
    %get3A_248 = arith.constant 400 : index
    %get3A_249 = tpu.vector_load %arg5[%get3A_248] {strides = array<i32>} : memref<512xi32, #tpu.memory_space<vmem>>, vector<16xi32>,
    %get3A_250 = arith.constant 400 : index
    %get3A_251 = tpu.vector_load %arg6[%get3A_250] {strides = array<i32>} : memref<512xi32, #tpu.memory_space<vmem>>, vector<16xi32>,
    %lt3A_252 = arith.constant 512 : i32
    %lt3A_253 = vector.broadcast %lt3A_252 : i32 to vector<16xi32>
    %lt3A_254 = arith.cmpi slt, %get3A_249, %lt3A_253 : vector<16xi32>
    tpu.vector_store_idx %arg7[%get3A_249], %get3A_251 masked %lt3A_254 : memref<528xi32, #tpu.memory_space<vmem>>[vector<16xi32>], vector<16xi32>, vector<16xi1>
    %get3A_255 = arith.constant 416 : index
    %get3A_256 = tpu.vector_load %arg5[%get3A_255] {strides = array<i32>} : memref<512xi32, #tpu.memory_space<vmem>>, vector<16xi32>,
    %get3A_257 = arith.constant 416 : index
    %get3A_258 = tpu.vector_load %arg6[%get3A_257] {strides = array<i32>} : memref<512xi32, #tpu.memory_space<vmem>>, vector<16xi32>,
    %lt3A_259 = arith.constant 512 : i32
    %lt3A_260 = vector.broadcast %lt3A_259 : i32 to vector<16xi32>
    %lt3A_261 = arith.cmpi slt, %get3A_256, %lt3A_260 : vector<16xi32>
    tpu.vector_store_idx %arg7[%get3A_256], %get3A_258 masked %lt3A_261 : memref<528xi32, #tpu.memory_space<vmem>>[vector<16xi32>], vector<16xi32>, vector<16xi1>
    %get3A_262 = arith.constant 432 : index
    %get3A_263 = tpu.vector_load %arg5[%get3A_262] {strides = array<i32>} : memref<512xi32, #tpu.memory_space<vmem>>, vector<16xi32>,
    %get3A_264 = arith.constant 432 : index
    %get3A_265 = tpu.vector_load %arg6[%get3A_264] {strides = array<i32>} : memref<512xi32, #tpu.memory_space<vmem>>, vector<16xi32>,
    %lt3A_266 = arith.constant 512 : i32
    %lt3A_267 = vector.broadcast %lt3A_266 : i32 to vector<16xi32>
    %lt3A_268 = arith.cmpi slt, %get3A_263, %lt3A_267 : vector<16xi32>
    tpu.vector_store_idx %arg7[%get3A_263], %get3A_265 masked %lt3A_268 : memref<528xi32, #tpu.memory_space<vmem>>[vector<16xi32>], vector<16xi32>, vector<16xi1>
    %get3A_269 = arith.constant 448 : index
    %get3A_270 = tpu.vector_load %arg5[%get3A_269] {strides = array<i32>} : memref<512xi32, #tpu.memory_space<vmem>>, vector<16xi32>,
    %get3A_271 = arith.constant 448 : index
    %get3A_272 = tpu.vector_load %arg6[%get3A_271] {strides = array<i32>} : memref<512xi32, #tpu.memory_space<vmem>>, vector<16xi32>,
    %lt3A_273 = arith.constant 512 : i32
    %lt3A_274 = vector.broadcast %lt3A_273 : i32 to vector<16xi32>
    %lt3A_275 = arith.cmpi slt, %get3A_270, %lt3A_274 : vector<16xi32>
    tpu.vector_store_idx %arg7[%get3A_270], %get3A_272 masked %lt3A_275 : memref<528xi32, #tpu.memory_space<vmem>>[vector<16xi32>], vector<16xi32>, vector<16xi1>
    %get3A_276 = arith.constant 464 : index
    %get3A_277 = tpu.vector_load %arg5[%get3A_276] {strides = array<i32>} : memref<512xi32, #tpu.memory_space<vmem>>, vector<16xi32>,
    %get3A_278 = arith.constant 464 : index
    %get3A_279 = tpu.vector_load %arg6[%get3A_278] {strides = array<i32>} : memref<512xi32, #tpu.memory_space<vmem>>, vector<16xi32>,
    %lt3A_280 = arith.constant 512 : i32
    %lt3A_281 = vector.broadcast %lt3A_280 : i32 to vector<16xi32>
    %lt3A_282 = arith.cmpi slt, %get3A_277, %lt3A_281 : vector<16xi32>
    tpu.vector_store_idx %arg7[%get3A_277], %get3A_279 masked %lt3A_282 : memref<528xi32, #tpu.memory_space<vmem>>[vector<16xi32>], vector<16xi32>, vector<16xi1>
    %get3A_283 = arith.constant 480 : index
    %get3A_284 = tpu.vector_load %arg5[%get3A_283] {strides = array<i32>} : memref<512xi32, #tpu.memory_space<vmem>>, vector<16xi32>,
    %get3A_285 = arith.constant 480 : index
    %get3A_286 = tpu.vector_load %arg6[%get3A_285] {strides = array<i32>} : memref<512xi32, #tpu.memory_space<vmem>>, vector<16xi32>,
    %lt3A_287 = arith.constant 512 : i32
    %lt3A_288 = vector.broadcast %lt3A_287 : i32 to vector<16xi32>
    %lt3A_289 = arith.cmpi slt, %get3A_284, %lt3A_288 : vector<16xi32>
    tpu.vector_store_idx %arg7[%get3A_284], %get3A_286 masked %lt3A_289 : memref<528xi32, #tpu.memory_space<vmem>>[vector<16xi32>], vector<16xi32>, vector<16xi1>
    %get3A_290 = arith.constant 496 : index
    %get3A_291 = tpu.vector_load %arg5[%get3A_290] {strides = array<i32>} : memref<512xi32, #tpu.memory_space<vmem>>, vector<16xi32>,
    %get3A_292 = arith.constant 496 : index
    %get3A_293 = tpu.vector_load %arg6[%get3A_292] {strides = array<i32>} : memref<512xi32, #tpu.memory_space<vmem>>, vector<16xi32>,
    %lt3A_294 = arith.constant 512 : i32
    %lt3A_295 = vector.broadcast %lt3A_294 : i32 to vector<16xi32>
    %lt3A_296 = arith.cmpi slt, %get3A_291, %lt3A_295 : vector<16xi32>
    tpu.vector_store_idx %arg7[%get3A_291], %get3A_293 masked %lt3A_296 : memref<528xi32, #tpu.memory_space<vmem>>[vector<16xi32>], vector<16xi32>, vector<16xi1>
    %mul3A_297 = arith.constant 512 : i32
    %mul3A_298 = arith.muli %add3A_5, %mul3A_297 : i32
    "tpu.region"() ({
      %run_scoped3A = tpu.sem_alloc : memref<!tpu.dma_semaphore, #tpu.memory_space<semaphore_mem>>
      %dma_start3A = arith.constant 0 : i32
      %dma_start3A_599 = tpu.memref_slice %arg7[%dma_start3A] : memref<528xi32, #tpu.memory_space<vmem>> -> memref<512xi32, #tpu.memory_space<vmem>>
      %dma_start3A_600 = tpu.memref_slice %arg4[%mul3A_298] : memref<32768xi32, #tpu.memory_space<hbm>> -> memref<512xi32, #tpu.memory_space<hbm>>
      %dma_start3A_601 = tpu.memref_slice %arg4[%mul3A_298] : memref<32768xi32, #tpu.memory_space<hbm>> -> memref<512xi32, #tpu.memory_space<hbm>>
      %dma_start3A_602 = arith.constant 0 : i32
      %dma_start3A_603 = tpu.memref_slice %arg7[%dma_start3A_602] : memref<528xi32, #tpu.memory_space<vmem>> -> memref<512xi32, #tpu.memory_space<vmem>>
      tpu.enqueue_dma source(%dma_start3A_603 : memref<512xi32, #tpu.memory_space<vmem>>) target(%dma_start3A_601 : memref<512xi32, #tpu.memory_space<hbm>>) target_semaphore(%run_scoped3A : memref<!tpu.dma_semaphore, #tpu.memory_space<semaphore_mem>>)
      %dma_wait3A = arith.constant 0 : i32
      %dma_wait3A_604 = tpu.memref_slice %arg7[%dma_wait3A] : memref<528xi32, #tpu.memory_space<vmem>> -> memref<512xi32, #tpu.memory_space<vmem>>
      %dma_wait3A_605 = tpu.memref_slice %arg4[%mul3A_298] : memref<32768xi32, #tpu.memory_space<hbm>> -> memref<512xi32, #tpu.memory_space<hbm>>
      %dma_wait3A_606 = tpu.memref_slice %arg4[%mul3A_298] : memref<32768xi32, #tpu.memory_space<hbm>> -> memref<512xi32, #tpu.memory_space<hbm>>
      %dma_wait3A_607 = arith.constant 0 : i32
      %dma_wait3A_608 = tpu.memref_slice %arg7[%dma_wait3A_607] : memref<528xi32, #tpu.memory_space<vmem>> -> memref<512xi32, #tpu.memory_space<vmem>>
      tpu.wait_dma2 semaphore(%run_scoped3A : memref<!tpu.dma_semaphore, #tpu.memory_space<semaphore_mem>>) src(%dma_wait3A_608 : memref<512xi32, #tpu.memory_space<vmem>>) dst(%dma_wait3A_606 : memref<512xi32, #tpu.memory_space<hbm>>)
      tpu.yield
    }) : () -> ()
    %mul3A_299 = arith.constant 2 : i32
    %mul3A_300 = arith.muli %add3A, %mul3A_299 : i32
    %add3A_301 = arith.constant 1 : i32
    %add3A_302 = arith.addi %mul3A_300, %add3A_301 : i32
    %mul3A_303 = arith.constant 512 : i32
    %mul3A_304 = arith.muli %add3A_302, %mul3A_303 : i32
    "tpu.region"() ({
      %run_scoped3A = tpu.sem_alloc : memref<!tpu.dma_semaphore, #tpu.memory_space<semaphore_mem>>
      %dma_start3A = tpu.memref_slice %arg2[%mul3A_304] : memref<32768xi32, #tpu.memory_space<hbm>> -> memref<512xi32, #tpu.memory_space<hbm>>
      %dma_start3A_599 = tpu.memref_slice %arg2[%mul3A_304] : memref<32768xi32, #tpu.memory_space<hbm>> -> memref<512xi32, #tpu.memory_space<hbm>>
      tpu.enqueue_dma source(%dma_start3A_599 : memref<512xi32, #tpu.memory_space<hbm>>) target(%arg5 : memref<512xi32, #tpu.memory_space<vmem>>) target_semaphore(%run_scoped3A : memref<!tpu.dma_semaphore, #tpu.memory_space<semaphore_mem>>)
      %dma_wait3A = tpu.memref_slice %arg2[%mul3A_304] : memref<32768xi32, #tpu.memory_space<hbm>> -> memref<512xi32, #tpu.memory_space<hbm>>
      %dma_wait3A_600 = tpu.memref_slice %arg2[%mul3A_304] : memref<32768xi32, #tpu.memory_space<hbm>> -> memref<512xi32, #tpu.memory_space<hbm>>
      tpu.wait_dma2 semaphore(%run_scoped3A : memref<!tpu.dma_semaphore, #tpu.memory_space<semaphore_mem>>) src(%dma_wait3A_600 : memref<512xi32, #tpu.memory_space<hbm>>) dst(%arg5 : memref<512xi32, #tpu.memory_space<vmem>>)
      tpu.yield
    }) : () -> ()
    %mul3A_305 = arith.constant 512 : i32
    %mul3A_306 = arith.muli %add3A_302, %mul3A_305 : i32
    "tpu.region"() ({
      %run_scoped3A = tpu.sem_alloc : memref<!tpu.dma_semaphore, #tpu.memory_space<semaphore_mem>>
      %dma_start3A = tpu.memref_slice %arg3[%mul3A_306] : memref<32768xi32, #tpu.memory_space<hbm>> -> memref<512xi32, #tpu.memory_space<hbm>>
      %dma_start3A_599 = tpu.memref_slice %arg3[%mul3A_306] : memref<32768xi32, #tpu.memory_space<hbm>> -> memref<512xi32, #tpu.memory_space<hbm>>
      tpu.enqueue_dma source(%dma_start3A_599 : memref<512xi32, #tpu.memory_space<hbm>>) target(%arg6 : memref<512xi32, #tpu.memory_space<vmem>>) target_semaphore(%run_scoped3A : memref<!tpu.dma_semaphore, #tpu.memory_space<semaphore_mem>>)
      %dma_wait3A = tpu.memref_slice %arg3[%mul3A_306] : memref<32768xi32, #tpu.memory_space<hbm>> -> memref<512xi32, #tpu.memory_space<hbm>>
      %dma_wait3A_600 = tpu.memref_slice %arg3[%mul3A_306] : memref<32768xi32, #tpu.memory_space<hbm>> -> memref<512xi32, #tpu.memory_space<hbm>>
      tpu.wait_dma2 semaphore(%run_scoped3A : memref<!tpu.dma_semaphore, #tpu.memory_space<semaphore_mem>>) src(%dma_wait3A_600 : memref<512xi32, #tpu.memory_space<hbm>>) dst(%arg6 : memref<512xi32, #tpu.memory_space<vmem>>)
      tpu.yield
    }) : () -> ()
    %swap3A_307 = arith.constant 0 : index
    %swap3A_308 = tpu.vector_load %arg7[%swap3A_307] {strides = array<i32>} : memref<528xi32, #tpu.memory_space<vmem>>, vector<16xi32>,
    tpu.vector_store %arg7[%swap3A_307], %broadcast_in_dim3A_1 {strides = array<i32>} : memref<528xi32, #tpu.memory_space<vmem>>, vector<16xi32>,
    %swap3A_309 = arith.constant 16 : index
    %swap3A_310 = tpu.vector_load %arg7[%swap3A_309] {strides = array<i32>} : memref<528xi32, #tpu.memory_space<vmem>>, vector<16xi32>,
    tpu.vector_store %arg7[%swap3A_309], %broadcast_in_dim3A_1 {strides = array<i32>} : memref<528xi32, #tpu.memory_space<vmem>>, vector<16xi32>,
    %swap3A_311 = arith.constant 32 : index
    %swap3A_312 = tpu.vector_load %arg7[%swap3A_311] {strides = array<i32>} : memref<528xi32, #tpu.memory_space<vmem>>, vector<16xi32>,
    tpu.vector_store %arg7[%swap3A_311], %broadcast_in_dim3A_1 {strides = array<i32>} : memref<528xi32, #tpu.memory_space<vmem>>, vector<16xi32>,
    %swap3A_313 = arith.constant 48 : index
    %swap3A_314 = tpu.vector_load %arg7[%swap3A_313] {strides = array<i32>} : memref<528xi32, #tpu.memory_space<vmem>>, vector<16xi32>,
    tpu.vector_store %arg7[%swap3A_313], %broadcast_in_dim3A_1 {strides = array<i32>} : memref<528xi32, #tpu.memory_space<vmem>>, vector<16xi32>,
    %swap3A_315 = arith.constant 64 : index
    %swap3A_316 = tpu.vector_load %arg7[%swap3A_315] {strides = array<i32>} : memref<528xi32, #tpu.memory_space<vmem>>, vector<16xi32>,
    tpu.vector_store %arg7[%swap3A_315], %broadcast_in_dim3A_1 {strides = array<i32>} : memref<528xi32, #tpu.memory_space<vmem>>, vector<16xi32>,
    %swap3A_317 = arith.constant 80 : index
    %swap3A_318 = tpu.vector_load %arg7[%swap3A_317] {strides = array<i32>} : memref<528xi32, #tpu.memory_space<vmem>>, vector<16xi32>,
    tpu.vector_store %arg7[%swap3A_317], %broadcast_in_dim3A_1 {strides = array<i32>} : memref<528xi32, #tpu.memory_space<vmem>>, vector<16xi32>,
    %swap3A_319 = arith.constant 96 : index
    %swap3A_320 = tpu.vector_load %arg7[%swap3A_319] {strides = array<i32>} : memref<528xi32, #tpu.memory_space<vmem>>, vector<16xi32>,
    tpu.vector_store %arg7[%swap3A_319], %broadcast_in_dim3A_1 {strides = array<i32>} : memref<528xi32, #tpu.memory_space<vmem>>, vector<16xi32>,
    %swap3A_321 = arith.constant 112 : index
    %swap3A_322 = tpu.vector_load %arg7[%swap3A_321] {strides = array<i32>} : memref<528xi32, #tpu.memory_space<vmem>>, vector<16xi32>,
    tpu.vector_store %arg7[%swap3A_321], %broadcast_in_dim3A_1 {strides = array<i32>} : memref<528xi32, #tpu.memory_space<vmem>>, vector<16xi32>,
    %swap3A_323 = arith.constant 128 : index
    %swap3A_324 = tpu.vector_load %arg7[%swap3A_323] {strides = array<i32>} : memref<528xi32, #tpu.memory_space<vmem>>, vector<16xi32>,
    tpu.vector_store %arg7[%swap3A_323], %broadcast_in_dim3A_1 {strides = array<i32>} : memref<528xi32, #tpu.memory_space<vmem>>, vector<16xi32>,
    %swap3A_325 = arith.constant 144 : index
    %swap3A_326 = tpu.vector_load %arg7[%swap3A_325] {strides = array<i32>} : memref<528xi32, #tpu.memory_space<vmem>>, vector<16xi32>,
    tpu.vector_store %arg7[%swap3A_325], %broadcast_in_dim3A_1 {strides = array<i32>} : memref<528xi32, #tpu.memory_space<vmem>>, vector<16xi32>,
    %swap3A_327 = arith.constant 160 : index
    %swap3A_328 = tpu.vector_load %arg7[%swap3A_327] {strides = array<i32>} : memref<528xi32, #tpu.memory_space<vmem>>, vector<16xi32>,
    tpu.vector_store %arg7[%swap3A_327], %broadcast_in_dim3A_1 {strides = array<i32>} : memref<528xi32, #tpu.memory_space<vmem>>, vector<16xi32>,
    %swap3A_329 = arith.constant 176 : index
    %swap3A_330 = tpu.vector_load %arg7[%swap3A_329] {strides = array<i32>} : memref<528xi32, #tpu.memory_space<vmem>>, vector<16xi32>,
    tpu.vector_store %arg7[%swap3A_329], %broadcast_in_dim3A_1 {strides = array<i32>} : memref<528xi32, #tpu.memory_space<vmem>>, vector<16xi32>,
    %swap3A_331 = arith.constant 192 : index
    %swap3A_332 = tpu.vector_load %arg7[%swap3A_331] {strides = array<i32>} : memref<528xi32, #tpu.memory_space<vmem>>, vector<16xi32>,
    tpu.vector_store %arg7[%swap3A_331], %broadcast_in_dim3A_1 {strides = array<i32>} : memref<528xi32, #tpu.memory_space<vmem>>, vector<16xi32>,
    %swap3A_333 = arith.constant 208 : index
    %swap3A_334 = tpu.vector_load %arg7[%swap3A_333] {strides = array<i32>} : memref<528xi32, #tpu.memory_space<vmem>>, vector<16xi32>,
    tpu.vector_store %arg7[%swap3A_333], %broadcast_in_dim3A_1 {strides = array<i32>} : memref<528xi32, #tpu.memory_space<vmem>>, vector<16xi32>,
    %swap3A_335 = arith.constant 224 : index
    %swap3A_336 = tpu.vector_load %arg7[%swap3A_335] {strides = array<i32>} : memref<528xi32, #tpu.memory_space<vmem>>, vector<16xi32>,
    tpu.vector_store %arg7[%swap3A_335], %broadcast_in_dim3A_1 {strides = array<i32>} : memref<528xi32, #tpu.memory_space<vmem>>, vector<16xi32>,
    %swap3A_337 = arith.constant 240 : index
    %swap3A_338 = tpu.vector_load %arg7[%swap3A_337] {strides = array<i32>} : memref<528xi32, #tpu.memory_space<vmem>>, vector<16xi32>,
    tpu.vector_store %arg7[%swap3A_337], %broadcast_in_dim3A_1 {strides = array<i32>} : memref<528xi32, #tpu.memory_space<vmem>>, vector<16xi32>,
    %swap3A_339 = arith.constant 256 : index
    %swap3A_340 = tpu.vector_load %arg7[%swap3A_339] {strides = array<i32>} : memref<528xi32, #tpu.memory_space<vmem>>, vector<16xi32>,
    tpu.vector_store %arg7[%swap3A_339], %broadcast_in_dim3A_1 {strides = array<i32>} : memref<528xi32, #tpu.memory_space<vmem>>, vector<16xi32>,
    %swap3A_341 = arith.constant 272 : index
    %swap3A_342 = tpu.vector_load %arg7[%swap3A_341] {strides = array<i32>} : memref<528xi32, #tpu.memory_space<vmem>>, vector<16xi32>,
    tpu.vector_store %arg7[%swap3A_341], %broadcast_in_dim3A_1 {strides = array<i32>} : memref<528xi32, #tpu.memory_space<vmem>>, vector<16xi32>,
    %swap3A_343 = arith.constant 288 : index
    %swap3A_344 = tpu.vector_load %arg7[%swap3A_343] {strides = array<i32>} : memref<528xi32, #tpu.memory_space<vmem>>, vector<16xi32>,
    tpu.vector_store %arg7[%swap3A_343], %broadcast_in_dim3A_1 {strides = array<i32>} : memref<528xi32, #tpu.memory_space<vmem>>, vector<16xi32>,
    %swap3A_345 = arith.constant 304 : index
    %swap3A_346 = tpu.vector_load %arg7[%swap3A_345] {strides = array<i32>} : memref<528xi32, #tpu.memory_space<vmem>>, vector<16xi32>,
    tpu.vector_store %arg7[%swap3A_345], %broadcast_in_dim3A_1 {strides = array<i32>} : memref<528xi32, #tpu.memory_space<vmem>>, vector<16xi32>,
    %swap3A_347 = arith.constant 320 : index
    %swap3A_348 = tpu.vector_load %arg7[%swap3A_347] {strides = array<i32>} : memref<528xi32, #tpu.memory_space<vmem>>, vector<16xi32>,
    tpu.vector_store %arg7[%swap3A_347], %broadcast_in_dim3A_1 {strides = array<i32>} : memref<528xi32, #tpu.memory_space<vmem>>, vector<16xi32>,
    %swap3A_349 = arith.constant 336 : index
    %swap3A_350 = tpu.vector_load %arg7[%swap3A_349] {strides = array<i32>} : memref<528xi32, #tpu.memory_space<vmem>>, vector<16xi32>,
    tpu.vector_store %arg7[%swap3A_349], %broadcast_in_dim3A_1 {strides = array<i32>} : memref<528xi32, #tpu.memory_space<vmem>>, vector<16xi32>,
    %swap3A_351 = arith.constant 352 : index
    %swap3A_352 = tpu.vector_load %arg7[%swap3A_351] {strides = array<i32>} : memref<528xi32, #tpu.memory_space<vmem>>, vector<16xi32>,
    tpu.vector_store %arg7[%swap3A_351], %broadcast_in_dim3A_1 {strides = array<i32>} : memref<528xi32, #tpu.memory_space<vmem>>, vector<16xi32>,
    %swap3A_353 = arith.constant 368 : index
    %swap3A_354 = tpu.vector_load %arg7[%swap3A_353] {strides = array<i32>} : memref<528xi32, #tpu.memory_space<vmem>>, vector<16xi32>,
    tpu.vector_store %arg7[%swap3A_353], %broadcast_in_dim3A_1 {strides = array<i32>} : memref<528xi32, #tpu.memory_space<vmem>>, vector<16xi32>,
    %swap3A_355 = arith.constant 384 : index
    %swap3A_356 = tpu.vector_load %arg7[%swap3A_355] {strides = array<i32>} : memref<528xi32, #tpu.memory_space<vmem>>, vector<16xi32>,
    tpu.vector_store %arg7[%swap3A_355], %broadcast_in_dim3A_1 {strides = array<i32>} : memref<528xi32, #tpu.memory_space<vmem>>, vector<16xi32>,
    %swap3A_357 = arith.constant 400 : index
    %swap3A_358 = tpu.vector_load %arg7[%swap3A_357] {strides = array<i32>} : memref<528xi32, #tpu.memory_space<vmem>>, vector<16xi32>,
    tpu.vector_store %arg7[%swap3A_357], %broadcast_in_dim3A_1 {strides = array<i32>} : memref<528xi32, #tpu.memory_space<vmem>>, vector<16xi32>,
    %swap3A_359 = arith.constant 416 : index
    %swap3A_360 = tpu.vector_load %arg7[%swap3A_359] {strides = array<i32>} : memref<528xi32, #tpu.memory_space<vmem>>, vector<16xi32>,
    tpu.vector_store %arg7[%swap3A_359], %broadcast_in_dim3A_1 {strides = array<i32>} : memref<528xi32, #tpu.memory_space<vmem>>, vector<16xi32>,
    %swap3A_361 = arith.constant 432 : index
    %swap3A_362 = tpu.vector_load %arg7[%swap3A_361] {strides = array<i32>} : memref<528xi32, #tpu.memory_space<vmem>>, vector<16xi32>,
    tpu.vector_store %arg7[%swap3A_361], %broadcast_in_dim3A_1 {strides = array<i32>} : memref<528xi32, #tpu.memory_space<vmem>>, vector<16xi32>,
    %swap3A_363 = arith.constant 448 : index
    %swap3A_364 = tpu.vector_load %arg7[%swap3A_363] {strides = array<i32>} : memref<528xi32, #tpu.memory_space<vmem>>, vector<16xi32>,
    tpu.vector_store %arg7[%swap3A_363], %broadcast_in_dim3A_1 {strides = array<i32>} : memref<528xi32, #tpu.memory_space<vmem>>, vector<16xi32>,
    %swap3A_365 = arith.constant 464 : index
    %swap3A_366 = tpu.vector_load %arg7[%swap3A_365] {strides = array<i32>} : memref<528xi32, #tpu.memory_space<vmem>>, vector<16xi32>,
    tpu.vector_store %arg7[%swap3A_365], %broadcast_in_dim3A_1 {strides = array<i32>} : memref<528xi32, #tpu.memory_space<vmem>>, vector<16xi32>,
    %swap3A_367 = arith.constant 480 : index
    %swap3A_368 = tpu.vector_load %arg7[%swap3A_367] {strides = array<i32>} : memref<528xi32, #tpu.memory_space<vmem>>, vector<16xi32>,
    tpu.vector_store %arg7[%swap3A_367], %broadcast_in_dim3A_1 {strides = array<i32>} : memref<528xi32, #tpu.memory_space<vmem>>, vector<16xi32>,
    %swap3A_369 = arith.constant 496 : index
    %swap3A_370 = tpu.vector_load %arg7[%swap3A_369] {strides = array<i32>} : memref<528xi32, #tpu.memory_space<vmem>>, vector<16xi32>,
    tpu.vector_store %arg7[%swap3A_369], %broadcast_in_dim3A_1 {strides = array<i32>} : memref<528xi32, #tpu.memory_space<vmem>>, vector<16xi32>,
    %swap3A_371 = arith.constant 512 : index
    %swap3A_372 = tpu.vector_load %arg7[%swap3A_371] {strides = array<i32>} : memref<528xi32, #tpu.memory_space<vmem>>, vector<16xi32>,
    tpu.vector_store %arg7[%swap3A_371], %broadcast_in_dim3A_1 {strides = array<i32>} : memref<528xi32, #tpu.memory_space<vmem>>, vector<16xi32>,
    %get3A_373 = arith.constant 0 : index
    %get3A_374 = tpu.vector_load %arg5[%get3A_373] {strides = array<i32>} : memref<512xi32, #tpu.memory_space<vmem>>, vector<16xi32>,
    %get3A_375 = arith.constant 0 : index
    %get3A_376 = tpu.vector_load %arg6[%get3A_375] {strides = array<i32>} : memref<512xi32, #tpu.memory_space<vmem>>, vector<16xi32>,
    %lt3A_377 = arith.constant 512 : i32
    %lt3A_378 = vector.broadcast %lt3A_377 : i32 to vector<16xi32>
    %lt3A_379 = arith.cmpi slt, %get3A_374, %lt3A_378 : vector<16xi32>
    tpu.vector_store_idx %arg7[%get3A_374], %get3A_376 masked %lt3A_379 : memref<528xi32, #tpu.memory_space<vmem>>[vector<16xi32>], vector<16xi32>, vector<16xi1>
    %get3A_380 = arith.constant 16 : index
    %get3A_381 = tpu.vector_load %arg5[%get3A_380] {strides = array<i32>} : memref<512xi32, #tpu.memory_space<vmem>>, vector<16xi32>,
    %get3A_382 = arith.constant 16 : index
    %get3A_383 = tpu.vector_load %arg6[%get3A_382] {strides = array<i32>} : memref<512xi32, #tpu.memory_space<vmem>>, vector<16xi32>,
    %lt3A_384 = arith.constant 512 : i32
    %lt3A_385 = vector.broadcast %lt3A_384 : i32 to vector<16xi32>
    %lt3A_386 = arith.cmpi slt, %get3A_381, %lt3A_385 : vector<16xi32>
    tpu.vector_store_idx %arg7[%get3A_381], %get3A_383 masked %lt3A_386 : memref<528xi32, #tpu.memory_space<vmem>>[vector<16xi32>], vector<16xi32>, vector<16xi1>
    %get3A_387 = arith.constant 32 : index
    %get3A_388 = tpu.vector_load %arg5[%get3A_387] {strides = array<i32>} : memref<512xi32, #tpu.memory_space<vmem>>, vector<16xi32>,
    %get3A_389 = arith.constant 32 : index
    %get3A_390 = tpu.vector_load %arg6[%get3A_389] {strides = array<i32>} : memref<512xi32, #tpu.memory_space<vmem>>, vector<16xi32>,
    %lt3A_391 = arith.constant 512 : i32
    %lt3A_392 = vector.broadcast %lt3A_391 : i32 to vector<16xi32>
    %lt3A_393 = arith.cmpi slt, %get3A_388, %lt3A_392 : vector<16xi32>
    tpu.vector_store_idx %arg7[%get3A_388], %get3A_390 masked %lt3A_393 : memref<528xi32, #tpu.memory_space<vmem>>[vector<16xi32>], vector<16xi32>, vector<16xi1>
    %get3A_394 = arith.constant 48 : index
    %get3A_395 = tpu.vector_load %arg5[%get3A_394] {strides = array<i32>} : memref<512xi32, #tpu.memory_space<vmem>>, vector<16xi32>,
    %get3A_396 = arith.constant 48 : index
    %get3A_397 = tpu.vector_load %arg6[%get3A_396] {strides = array<i32>} : memref<512xi32, #tpu.memory_space<vmem>>, vector<16xi32>,
    %lt3A_398 = arith.constant 512 : i32
    %lt3A_399 = vector.broadcast %lt3A_398 : i32 to vector<16xi32>
    %lt3A_400 = arith.cmpi slt, %get3A_395, %lt3A_399 : vector<16xi32>
    tpu.vector_store_idx %arg7[%get3A_395], %get3A_397 masked %lt3A_400 : memref<528xi32, #tpu.memory_space<vmem>>[vector<16xi32>], vector<16xi32>, vector<16xi1>
    %get3A_401 = arith.constant 64 : index
    %get3A_402 = tpu.vector_load %arg5[%get3A_401] {strides = array<i32>} : memref<512xi32, #tpu.memory_space<vmem>>, vector<16xi32>,
    %get3A_403 = arith.constant 64 : index
    %get3A_404 = tpu.vector_load %arg6[%get3A_403] {strides = array<i32>} : memref<512xi32, #tpu.memory_space<vmem>>, vector<16xi32>,
    %lt3A_405 = arith.constant 512 : i32
    %lt3A_406 = vector.broadcast %lt3A_405 : i32 to vector<16xi32>
    %lt3A_407 = arith.cmpi slt, %get3A_402, %lt3A_406 : vector<16xi32>
    tpu.vector_store_idx %arg7[%get3A_402], %get3A_404 masked %lt3A_407 : memref<528xi32, #tpu.memory_space<vmem>>[vector<16xi32>], vector<16xi32>, vector<16xi1>
    %get3A_408 = arith.constant 80 : index
    %get3A_409 = tpu.vector_load %arg5[%get3A_408] {strides = array<i32>} : memref<512xi32, #tpu.memory_space<vmem>>, vector<16xi32>,
    %get3A_410 = arith.constant 80 : index
    %get3A_411 = tpu.vector_load %arg6[%get3A_410] {strides = array<i32>} : memref<512xi32, #tpu.memory_space<vmem>>, vector<16xi32>,
    %lt3A_412 = arith.constant 512 : i32
    %lt3A_413 = vector.broadcast %lt3A_412 : i32 to vector<16xi32>
    %lt3A_414 = arith.cmpi slt, %get3A_409, %lt3A_413 : vector<16xi32>
    tpu.vector_store_idx %arg7[%get3A_409], %get3A_411 masked %lt3A_414 : memref<528xi32, #tpu.memory_space<vmem>>[vector<16xi32>], vector<16xi32>, vector<16xi1>
    %get3A_415 = arith.constant 96 : index
    %get3A_416 = tpu.vector_load %arg5[%get3A_415] {strides = array<i32>} : memref<512xi32, #tpu.memory_space<vmem>>, vector<16xi32>,
    %get3A_417 = arith.constant 96 : index
    %get3A_418 = tpu.vector_load %arg6[%get3A_417] {strides = array<i32>} : memref<512xi32, #tpu.memory_space<vmem>>, vector<16xi32>,
    %lt3A_419 = arith.constant 512 : i32
    %lt3A_420 = vector.broadcast %lt3A_419 : i32 to vector<16xi32>
    %lt3A_421 = arith.cmpi slt, %get3A_416, %lt3A_420 : vector<16xi32>
    tpu.vector_store_idx %arg7[%get3A_416], %get3A_418 masked %lt3A_421 : memref<528xi32, #tpu.memory_space<vmem>>[vector<16xi32>], vector<16xi32>, vector<16xi1>
    %get3A_422 = arith.constant 112 : index
    %get3A_423 = tpu.vector_load %arg5[%get3A_422] {strides = array<i32>} : memref<512xi32, #tpu.memory_space<vmem>>, vector<16xi32>,
    %get3A_424 = arith.constant 112 : index
    %get3A_425 = tpu.vector_load %arg6[%get3A_424] {strides = array<i32>} : memref<512xi32, #tpu.memory_space<vmem>>, vector<16xi32>,
    %lt3A_426 = arith.constant 512 : i32
    %lt3A_427 = vector.broadcast %lt3A_426 : i32 to vector<16xi32>
    %lt3A_428 = arith.cmpi slt, %get3A_423, %lt3A_427 : vector<16xi32>
    tpu.vector_store_idx %arg7[%get3A_423], %get3A_425 masked %lt3A_428 : memref<528xi32, #tpu.memory_space<vmem>>[vector<16xi32>], vector<16xi32>, vector<16xi1>
    %get3A_429 = arith.constant 128 : index
    %get3A_430 = tpu.vector_load %arg5[%get3A_429] {strides = array<i32>} : memref<512xi32, #tpu.memory_space<vmem>>, vector<16xi32>,
    %get3A_431 = arith.constant 128 : index
    %get3A_432 = tpu.vector_load %arg6[%get3A_431] {strides = array<i32>} : memref<512xi32, #tpu.memory_space<vmem>>, vector<16xi32>,
    %lt3A_433 = arith.constant 512 : i32
    %lt3A_434 = vector.broadcast %lt3A_433 : i32 to vector<16xi32>
    %lt3A_435 = arith.cmpi slt, %get3A_430, %lt3A_434 : vector<16xi32>
    tpu.vector_store_idx %arg7[%get3A_430], %get3A_432 masked %lt3A_435 : memref<528xi32, #tpu.memory_space<vmem>>[vector<16xi32>], vector<16xi32>, vector<16xi1>
    %get3A_436 = arith.constant 144 : index
    %get3A_437 = tpu.vector_load %arg5[%get3A_436] {strides = array<i32>} : memref<512xi32, #tpu.memory_space<vmem>>, vector<16xi32>,
    %get3A_438 = arith.constant 144 : index
    %get3A_439 = tpu.vector_load %arg6[%get3A_438] {strides = array<i32>} : memref<512xi32, #tpu.memory_space<vmem>>, vector<16xi32>,
    %lt3A_440 = arith.constant 512 : i32
    %lt3A_441 = vector.broadcast %lt3A_440 : i32 to vector<16xi32>
    %lt3A_442 = arith.cmpi slt, %get3A_437, %lt3A_441 : vector<16xi32>
    tpu.vector_store_idx %arg7[%get3A_437], %get3A_439 masked %lt3A_442 : memref<528xi32, #tpu.memory_space<vmem>>[vector<16xi32>], vector<16xi32>, vector<16xi1>
    %get3A_443 = arith.constant 160 : index
    %get3A_444 = tpu.vector_load %arg5[%get3A_443] {strides = array<i32>} : memref<512xi32, #tpu.memory_space<vmem>>, vector<16xi32>,
    %get3A_445 = arith.constant 160 : index
    %get3A_446 = tpu.vector_load %arg6[%get3A_445] {strides = array<i32>} : memref<512xi32, #tpu.memory_space<vmem>>, vector<16xi32>,
    %lt3A_447 = arith.constant 512 : i32
    %lt3A_448 = vector.broadcast %lt3A_447 : i32 to vector<16xi32>
    %lt3A_449 = arith.cmpi slt, %get3A_444, %lt3A_448 : vector<16xi32>
    tpu.vector_store_idx %arg7[%get3A_444], %get3A_446 masked %lt3A_449 : memref<528xi32, #tpu.memory_space<vmem>>[vector<16xi32>], vector<16xi32>, vector<16xi1>
    %get3A_450 = arith.constant 176 : index
    %get3A_451 = tpu.vector_load %arg5[%get3A_450] {strides = array<i32>} : memref<512xi32, #tpu.memory_space<vmem>>, vector<16xi32>,
    %get3A_452 = arith.constant 176 : index
    %get3A_453 = tpu.vector_load %arg6[%get3A_452] {strides = array<i32>} : memref<512xi32, #tpu.memory_space<vmem>>, vector<16xi32>,
    %lt3A_454 = arith.constant 512 : i32
    %lt3A_455 = vector.broadcast %lt3A_454 : i32 to vector<16xi32>
    %lt3A_456 = arith.cmpi slt, %get3A_451, %lt3A_455 : vector<16xi32>
    tpu.vector_store_idx %arg7[%get3A_451], %get3A_453 masked %lt3A_456 : memref<528xi32, #tpu.memory_space<vmem>>[vector<16xi32>], vector<16xi32>, vector<16xi1>
    %get3A_457 = arith.constant 192 : index
    %get3A_458 = tpu.vector_load %arg5[%get3A_457] {strides = array<i32>} : memref<512xi32, #tpu.memory_space<vmem>>, vector<16xi32>,
    %get3A_459 = arith.constant 192 : index
    %get3A_460 = tpu.vector_load %arg6[%get3A_459] {strides = array<i32>} : memref<512xi32, #tpu.memory_space<vmem>>, vector<16xi32>,
    %lt3A_461 = arith.constant 512 : i32
    %lt3A_462 = vector.broadcast %lt3A_461 : i32 to vector<16xi32>
    %lt3A_463 = arith.cmpi slt, %get3A_458, %lt3A_462 : vector<16xi32>
    tpu.vector_store_idx %arg7[%get3A_458], %get3A_460 masked %lt3A_463 : memref<528xi32, #tpu.memory_space<vmem>>[vector<16xi32>], vector<16xi32>, vector<16xi1>
    %get3A_464 = arith.constant 208 : index
    %get3A_465 = tpu.vector_load %arg5[%get3A_464] {strides = array<i32>} : memref<512xi32, #tpu.memory_space<vmem>>, vector<16xi32>,
    %get3A_466 = arith.constant 208 : index
    %get3A_467 = tpu.vector_load %arg6[%get3A_466] {strides = array<i32>} : memref<512xi32, #tpu.memory_space<vmem>>, vector<16xi32>,
    %lt3A_468 = arith.constant 512 : i32
    %lt3A_469 = vector.broadcast %lt3A_468 : i32 to vector<16xi32>
    %lt3A_470 = arith.cmpi slt, %get3A_465, %lt3A_469 : vector<16xi32>
    tpu.vector_store_idx %arg7[%get3A_465], %get3A_467 masked %lt3A_470 : memref<528xi32, #tpu.memory_space<vmem>>[vector<16xi32>], vector<16xi32>, vector<16xi1>
    %get3A_471 = arith.constant 224 : index
    %get3A_472 = tpu.vector_load %arg5[%get3A_471] {strides = array<i32>} : memref<512xi32, #tpu.memory_space<vmem>>, vector<16xi32>,
    %get3A_473 = arith.constant 224 : index
    %get3A_474 = tpu.vector_load %arg6[%get3A_473] {strides = array<i32>} : memref<512xi32, #tpu.memory_space<vmem>>, vector<16xi32>,
    %lt3A_475 = arith.constant 512 : i32
    %lt3A_476 = vector.broadcast %lt3A_475 : i32 to vector<16xi32>
    %lt3A_477 = arith.cmpi slt, %get3A_472, %lt3A_476 : vector<16xi32>
    tpu.vector_store_idx %arg7[%get3A_472], %get3A_474 masked %lt3A_477 : memref<528xi32, #tpu.memory_space<vmem>>[vector<16xi32>], vector<16xi32>, vector<16xi1>
    %get3A_478 = arith.constant 240 : index
    %get3A_479 = tpu.vector_load %arg5[%get3A_478] {strides = array<i32>} : memref<512xi32, #tpu.memory_space<vmem>>, vector<16xi32>,
    %get3A_480 = arith.constant 240 : index
    %get3A_481 = tpu.vector_load %arg6[%get3A_480] {strides = array<i32>} : memref<512xi32, #tpu.memory_space<vmem>>, vector<16xi32>,
    %lt3A_482 = arith.constant 512 : i32
    %lt3A_483 = vector.broadcast %lt3A_482 : i32 to vector<16xi32>
    %lt3A_484 = arith.cmpi slt, %get3A_479, %lt3A_483 : vector<16xi32>
    tpu.vector_store_idx %arg7[%get3A_479], %get3A_481 masked %lt3A_484 : memref<528xi32, #tpu.memory_space<vmem>>[vector<16xi32>], vector<16xi32>, vector<16xi1>
    %get3A_485 = arith.constant 256 : index
    %get3A_486 = tpu.vector_load %arg5[%get3A_485] {strides = array<i32>} : memref<512xi32, #tpu.memory_space<vmem>>, vector<16xi32>,
    %get3A_487 = arith.constant 256 : index
    %get3A_488 = tpu.vector_load %arg6[%get3A_487] {strides = array<i32>} : memref<512xi32, #tpu.memory_space<vmem>>, vector<16xi32>,
    %lt3A_489 = arith.constant 512 : i32
    %lt3A_490 = vector.broadcast %lt3A_489 : i32 to vector<16xi32>
    %lt3A_491 = arith.cmpi slt, %get3A_486, %lt3A_490 : vector<16xi32>
    tpu.vector_store_idx %arg7[%get3A_486], %get3A_488 masked %lt3A_491 : memref<528xi32, #tpu.memory_space<vmem>>[vector<16xi32>], vector<16xi32>, vector<16xi1>
    %get3A_492 = arith.constant 272 : index
    %get3A_493 = tpu.vector_load %arg5[%get3A_492] {strides = array<i32>} : memref<512xi32, #tpu.memory_space<vmem>>, vector<16xi32>,
    %get3A_494 = arith.constant 272 : index
    %get3A_495 = tpu.vector_load %arg6[%get3A_494] {strides = array<i32>} : memref<512xi32, #tpu.memory_space<vmem>>, vector<16xi32>,
    %lt3A_496 = arith.constant 512 : i32
    %lt3A_497 = vector.broadcast %lt3A_496 : i32 to vector<16xi32>
    %lt3A_498 = arith.cmpi slt, %get3A_493, %lt3A_497 : vector<16xi32>
    tpu.vector_store_idx %arg7[%get3A_493], %get3A_495 masked %lt3A_498 : memref<528xi32, #tpu.memory_space<vmem>>[vector<16xi32>], vector<16xi32>, vector<16xi1>
    %get3A_499 = arith.constant 288 : index
    %get3A_500 = tpu.vector_load %arg5[%get3A_499] {strides = array<i32>} : memref<512xi32, #tpu.memory_space<vmem>>, vector<16xi32>,
    %get3A_501 = arith.constant 288 : index
    %get3A_502 = tpu.vector_load %arg6[%get3A_501] {strides = array<i32>} : memref<512xi32, #tpu.memory_space<vmem>>, vector<16xi32>,
    %lt3A_503 = arith.constant 512 : i32
    %lt3A_504 = vector.broadcast %lt3A_503 : i32 to vector<16xi32>
    %lt3A_505 = arith.cmpi slt, %get3A_500, %lt3A_504 : vector<16xi32>
    tpu.vector_store_idx %arg7[%get3A_500], %get3A_502 masked %lt3A_505 : memref<528xi32, #tpu.memory_space<vmem>>[vector<16xi32>], vector<16xi32>, vector<16xi1>
    %get3A_506 = arith.constant 304 : index
    %get3A_507 = tpu.vector_load %arg5[%get3A_506] {strides = array<i32>} : memref<512xi32, #tpu.memory_space<vmem>>, vector<16xi32>,
    %get3A_508 = arith.constant 304 : index
    %get3A_509 = tpu.vector_load %arg6[%get3A_508] {strides = array<i32>} : memref<512xi32, #tpu.memory_space<vmem>>, vector<16xi32>,
    %lt3A_510 = arith.constant 512 : i32
    %lt3A_511 = vector.broadcast %lt3A_510 : i32 to vector<16xi32>
    %lt3A_512 = arith.cmpi slt, %get3A_507, %lt3A_511 : vector<16xi32>
    tpu.vector_store_idx %arg7[%get3A_507], %get3A_509 masked %lt3A_512 : memref<528xi32, #tpu.memory_space<vmem>>[vector<16xi32>], vector<16xi32>, vector<16xi1>
    %get3A_513 = arith.constant 320 : index
    %get3A_514 = tpu.vector_load %arg5[%get3A_513] {strides = array<i32>} : memref<512xi32, #tpu.memory_space<vmem>>, vector<16xi32>,
    %get3A_515 = arith.constant 320 : index
    %get3A_516 = tpu.vector_load %arg6[%get3A_515] {strides = array<i32>} : memref<512xi32, #tpu.memory_space<vmem>>, vector<16xi32>,
    %lt3A_517 = arith.constant 512 : i32
    %lt3A_518 = vector.broadcast %lt3A_517 : i32 to vector<16xi32>
    %lt3A_519 = arith.cmpi slt, %get3A_514, %lt3A_518 : vector<16xi32>
    tpu.vector_store_idx %arg7[%get3A_514], %get3A_516 masked %lt3A_519 : memref<528xi32, #tpu.memory_space<vmem>>[vector<16xi32>], vector<16xi32>, vector<16xi1>
    %get3A_520 = arith.constant 336 : index
    %get3A_521 = tpu.vector_load %arg5[%get3A_520] {strides = array<i32>} : memref<512xi32, #tpu.memory_space<vmem>>, vector<16xi32>,
    %get3A_522 = arith.constant 336 : index
    %get3A_523 = tpu.vector_load %arg6[%get3A_522] {strides = array<i32>} : memref<512xi32, #tpu.memory_space<vmem>>, vector<16xi32>,
    %lt3A_524 = arith.constant 512 : i32
    %lt3A_525 = vector.broadcast %lt3A_524 : i32 to vector<16xi32>
    %lt3A_526 = arith.cmpi slt, %get3A_521, %lt3A_525 : vector<16xi32>
    tpu.vector_store_idx %arg7[%get3A_521], %get3A_523 masked %lt3A_526 : memref<528xi32, #tpu.memory_space<vmem>>[vector<16xi32>], vector<16xi32>, vector<16xi1>
    %get3A_527 = arith.constant 352 : index
    %get3A_528 = tpu.vector_load %arg5[%get3A_527] {strides = array<i32>} : memref<512xi32, #tpu.memory_space<vmem>>, vector<16xi32>,
    %get3A_529 = arith.constant 352 : index
    %get3A_530 = tpu.vector_load %arg6[%get3A_529] {strides = array<i32>} : memref<512xi32, #tpu.memory_space<vmem>>, vector<16xi32>,
    %lt3A_531 = arith.constant 512 : i32
    %lt3A_532 = vector.broadcast %lt3A_531 : i32 to vector<16xi32>
    %lt3A_533 = arith.cmpi slt, %get3A_528, %lt3A_532 : vector<16xi32>
    tpu.vector_store_idx %arg7[%get3A_528], %get3A_530 masked %lt3A_533 : memref<528xi32, #tpu.memory_space<vmem>>[vector<16xi32>], vector<16xi32>, vector<16xi1>
    %get3A_534 = arith.constant 368 : index
    %get3A_535 = tpu.vector_load %arg5[%get3A_534] {strides = array<i32>} : memref<512xi32, #tpu.memory_space<vmem>>, vector<16xi32>,
    %get3A_536 = arith.constant 368 : index
    %get3A_537 = tpu.vector_load %arg6[%get3A_536] {strides = array<i32>} : memref<512xi32, #tpu.memory_space<vmem>>, vector<16xi32>,
    %lt3A_538 = arith.constant 512 : i32
    %lt3A_539 = vector.broadcast %lt3A_538 : i32 to vector<16xi32>
    %lt3A_540 = arith.cmpi slt, %get3A_535, %lt3A_539 : vector<16xi32>
    tpu.vector_store_idx %arg7[%get3A_535], %get3A_537 masked %lt3A_540 : memref<528xi32, #tpu.memory_space<vmem>>[vector<16xi32>], vector<16xi32>, vector<16xi1>
    %get3A_541 = arith.constant 384 : index
    %get3A_542 = tpu.vector_load %arg5[%get3A_541] {strides = array<i32>} : memref<512xi32, #tpu.memory_space<vmem>>, vector<16xi32>,
    %get3A_543 = arith.constant 384 : index
    %get3A_544 = tpu.vector_load %arg6[%get3A_543] {strides = array<i32>} : memref<512xi32, #tpu.memory_space<vmem>>, vector<16xi32>,
    %lt3A_545 = arith.constant 512 : i32
    %lt3A_546 = vector.broadcast %lt3A_545 : i32 to vector<16xi32>
    %lt3A_547 = arith.cmpi slt, %get3A_542, %lt3A_546 : vector<16xi32>
    tpu.vector_store_idx %arg7[%get3A_542], %get3A_544 masked %lt3A_547 : memref<528xi32, #tpu.memory_space<vmem>>[vector<16xi32>], vector<16xi32>, vector<16xi1>
    %get3A_548 = arith.constant 400 : index
    %get3A_549 = tpu.vector_load %arg5[%get3A_548] {strides = array<i32>} : memref<512xi32, #tpu.memory_space<vmem>>, vector<16xi32>,
    %get3A_550 = arith.constant 400 : index
    %get3A_551 = tpu.vector_load %arg6[%get3A_550] {strides = array<i32>} : memref<512xi32, #tpu.memory_space<vmem>>, vector<16xi32>,
    %lt3A_552 = arith.constant 512 : i32
    %lt3A_553 = vector.broadcast %lt3A_552 : i32 to vector<16xi32>
    %lt3A_554 = arith.cmpi slt, %get3A_549, %lt3A_553 : vector<16xi32>
    tpu.vector_store_idx %arg7[%get3A_549], %get3A_551 masked %lt3A_554 : memref<528xi32, #tpu.memory_space<vmem>>[vector<16xi32>], vector<16xi32>, vector<16xi1>
    %get3A_555 = arith.constant 416 : index
    %get3A_556 = tpu.vector_load %arg5[%get3A_555] {strides = array<i32>} : memref<512xi32, #tpu.memory_space<vmem>>, vector<16xi32>,
    %get3A_557 = arith.constant 416 : index
    %get3A_558 = tpu.vector_load %arg6[%get3A_557] {strides = array<i32>} : memref<512xi32, #tpu.memory_space<vmem>>, vector<16xi32>,
    %lt3A_559 = arith.constant 512 : i32
    %lt3A_560 = vector.broadcast %lt3A_559 : i32 to vector<16xi32>
    %lt3A_561 = arith.cmpi slt, %get3A_556, %lt3A_560 : vector<16xi32>
    tpu.vector_store_idx %arg7[%get3A_556], %get3A_558 masked %lt3A_561 : memref<528xi32, #tpu.memory_space<vmem>>[vector<16xi32>], vector<16xi32>, vector<16xi1>
    %get3A_562 = arith.constant 432 : index
    %get3A_563 = tpu.vector_load %arg5[%get3A_562] {strides = array<i32>} : memref<512xi32, #tpu.memory_space<vmem>>, vector<16xi32>,
    %get3A_564 = arith.constant 432 : index
    %get3A_565 = tpu.vector_load %arg6[%get3A_564] {strides = array<i32>} : memref<512xi32, #tpu.memory_space<vmem>>, vector<16xi32>,
    %lt3A_566 = arith.constant 512 : i32
    %lt3A_567 = vector.broadcast %lt3A_566 : i32 to vector<16xi32>
    %lt3A_568 = arith.cmpi slt, %get3A_563, %lt3A_567 : vector<16xi32>
    tpu.vector_store_idx %arg7[%get3A_563], %get3A_565 masked %lt3A_568 : memref<528xi32, #tpu.memory_space<vmem>>[vector<16xi32>], vector<16xi32>, vector<16xi1>
    %get3A_569 = arith.constant 448 : index
    %get3A_570 = tpu.vector_load %arg5[%get3A_569] {strides = array<i32>} : memref<512xi32, #tpu.memory_space<vmem>>, vector<16xi32>,
    %get3A_571 = arith.constant 448 : index
    %get3A_572 = tpu.vector_load %arg6[%get3A_571] {strides = array<i32>} : memref<512xi32, #tpu.memory_space<vmem>>, vector<16xi32>,
    %lt3A_573 = arith.constant 512 : i32
    %lt3A_574 = vector.broadcast %lt3A_573 : i32 to vector<16xi32>
    %lt3A_575 = arith.cmpi slt, %get3A_570, %lt3A_574 : vector<16xi32>
    tpu.vector_store_idx %arg7[%get3A_570], %get3A_572 masked %lt3A_575 : memref<528xi32, #tpu.memory_space<vmem>>[vector<16xi32>], vector<16xi32>, vector<16xi1>
    %get3A_576 = arith.constant 464 : index
    %get3A_577 = tpu.vector_load %arg5[%get3A_576] {strides = array<i32>} : memref<512xi32, #tpu.memory_space<vmem>>, vector<16xi32>,
    %get3A_578 = arith.constant 464 : index
    %get3A_579 = tpu.vector_load %arg6[%get3A_578] {strides = array<i32>} : memref<512xi32, #tpu.memory_space<vmem>>, vector<16xi32>,
    %lt3A_580 = arith.constant 512 : i32
    %lt3A_581 = vector.broadcast %lt3A_580 : i32 to vector<16xi32>
    %lt3A_582 = arith.cmpi slt, %get3A_577, %lt3A_581 : vector<16xi32>
    tpu.vector_store_idx %arg7[%get3A_577], %get3A_579 masked %lt3A_582 : memref<528xi32, #tpu.memory_space<vmem>>[vector<16xi32>], vector<16xi32>, vector<16xi1>
    %get3A_583 = arith.constant 480 : index
    %get3A_584 = tpu.vector_load %arg5[%get3A_583] {strides = array<i32>} : memref<512xi32, #tpu.memory_space<vmem>>, vector<16xi32>,
    %get3A_585 = arith.constant 480 : index
    %get3A_586 = tpu.vector_load %arg6[%get3A_585] {strides = array<i32>} : memref<512xi32, #tpu.memory_space<vmem>>, vector<16xi32>,
    %lt3A_587 = arith.constant 512 : i32
    %lt3A_588 = vector.broadcast %lt3A_587 : i32 to vector<16xi32>
    %lt3A_589 = arith.cmpi slt, %get3A_584, %lt3A_588 : vector<16xi32>
    tpu.vector_store_idx %arg7[%get3A_584], %get3A_586 masked %lt3A_589 : memref<528xi32, #tpu.memory_space<vmem>>[vector<16xi32>], vector<16xi32>, vector<16xi1>
    %get3A_590 = arith.constant 496 : index
    %get3A_591 = tpu.vector_load %arg5[%get3A_590] {strides = array<i32>} : memref<512xi32, #tpu.memory_space<vmem>>, vector<16xi32>,
    %get3A_592 = arith.constant 496 : index
    %get3A_593 = tpu.vector_load %arg6[%get3A_592] {strides = array<i32>} : memref<512xi32, #tpu.memory_space<vmem>>, vector<16xi32>,
    %lt3A_594 = arith.constant 512 : i32
    %lt3A_595 = vector.broadcast %lt3A_594 : i32 to vector<16xi32>
    %lt3A_596 = arith.cmpi slt, %get3A_591, %lt3A_595 : vector<16xi32>
    tpu.vector_store_idx %arg7[%get3A_591], %get3A_593 masked %lt3A_596 : memref<528xi32, #tpu.memory_space<vmem>>[vector<16xi32>], vector<16xi32>, vector<16xi1>
    %mul3A_597 = arith.constant 512 : i32
    %mul3A_598 = arith.muli %add3A_302, %mul3A_597 : i32
    "tpu.region"() ({
      %run_scoped3A = tpu.sem_alloc : memref<!tpu.dma_semaphore, #tpu.memory_space<semaphore_mem>>
      %dma_start3A = arith.constant 0 : i32
      %dma_start3A_599 = tpu.memref_slice %arg7[%dma_start3A] : memref<528xi32, #tpu.memory_space<vmem>> -> memref<512xi32, #tpu.memory_space<vmem>>
      %dma_start3A_600 = tpu.memref_slice %arg4[%mul3A_598] : memref<32768xi32, #tpu.memory_space<hbm>> -> memref<512xi32, #tpu.memory_space<hbm>>
      %dma_start3A_601 = tpu.memref_slice %arg4[%mul3A_598] : memref<32768xi32, #tpu.memory_space<hbm>> -> memref<512xi32, #tpu.memory_space<hbm>>
      %dma_start3A_602 = arith.constant 0 : i32
      %dma_start3A_603 = tpu.memref_slice %arg7[%dma_start3A_602] : memref<528xi32, #tpu.memory_space<vmem>> -> memref<512xi32, #tpu.memory_space<vmem>>
      tpu.enqueue_dma source(%dma_start3A_603 : memref<512xi32, #tpu.memory_space<vmem>>) target(%dma_start3A_601 : memref<512xi32, #tpu.memory_space<hbm>>) target_semaphore(%run_scoped3A : memref<!tpu.dma_semaphore, #tpu.memory_space<semaphore_mem>>)
      %dma_wait3A = arith.constant 0 : i32
      %dma_wait3A_604 = tpu.memref_slice %arg7[%dma_wait3A] : memref<528xi32, #tpu.memory_space<vmem>> -> memref<512xi32, #tpu.memory_space<vmem>>
      %dma_wait3A_605 = tpu.memref_slice %arg4[%mul3A_598] : memref<32768xi32, #tpu.memory_space<hbm>> -> memref<512xi32, #tpu.memory_space<hbm>>
      %dma_wait3A_606 = tpu.memref_slice %arg4[%mul3A_598] : memref<32768xi32, #tpu.memory_space<hbm>> -> memref<512xi32, #tpu.memory_space<hbm>>
      %dma_wait3A_607 = arith.constant 0 : i32
      %dma_wait3A_608 = tpu.memref_slice %arg7[%dma_wait3A_607] : memref<528xi32, #tpu.memory_space<vmem>> -> memref<512xi32, #tpu.memory_space<vmem>>
      tpu.wait_dma2 semaphore(%run_scoped3A : memref<!tpu.dma_semaphore, #tpu.memory_space<semaphore_mem>>) src(%dma_wait3A_608 : memref<512xi32, #tpu.memory_space<vmem>>) dst(%dma_wait3A_606 : memref<512xi32, #tpu.memory_space<hbm>>)
      tpu.yield
    }) : () -> ()
    return
  }
}

module attributes {stable_mosaic.version = 14 : i64} {
  func.func @_greedy_body(%arg0: i32, %arg1: memref<1x64xi32, #tpu.memory_space<vmem>>, %arg2: memref<32x64x1024xf32, #tpu.memory_space<vmem>>, %arg3: memref<1x64xf32, #tpu.memory_space<vmem>>, %arg4: memref<64x1xi32, #tpu.memory_space<vmem>>, %arg5: memref<64x512xi32, #tpu.memory_space<vmem>>, %arg6: memref<64x512xi32, #tpu.memory_space<vmem>>, %arg7: memref<1x64xf32, #tpu.memory_space<vmem>>, %arg8: memref<512x64xi32, #tpu.memory_space<vmem>>) attributes {dimension_semantics = [#tpu.dimension_semantics<arbitrary>], iteration_bounds = array<i64: 16>, scalar_prefetch = 0 : i64, scratch_operands = 2 : i64, tpu.core_type = #tpu.core_type<tc>, window_params = [{pipeline_mode = #tpu.pipeline_mode<synchronous>, transform_indices = @transform_0, window_bounds = array<i64: 1, 64>}, {transform_indices = @transform_1, window_bounds = array<i64: 32, 64, 1024>}, {pipeline_mode = #tpu.pipeline_mode<synchronous>, transform_indices = @transform_2, window_bounds = array<i64: 1, 64>}, {pipeline_mode = #tpu.pipeline_mode<synchronous>, transform_indices = @transform_3, window_bounds = array<i64: 64, 1>}, {pipeline_mode = #tpu.pipeline_mode<synchronous>, transform_indices = @transform_4, window_bounds = array<i64: 64, 512>}, {pipeline_mode = #tpu.pipeline_mode<synchronous>, transform_indices = @transform_5, window_bounds = array<i64: 64, 512>}]} {
    %eq3A = arith.constant 0 : i32
    %eq3A_0 = arith.cmpi eq, %arg0, %eq3A : i32
    %convert_element_type3A = arith.extui %eq3A_0 : i1 to i32
    %cond3A = arith.constant 0 : i32
    %cond3A_1 = arith.cmpi ne, %convert_element_type3A, %cond3A : i32
    scf.if %cond3A_1 {
      %broadcast_in_dim3A_252 = arith.constant 0.000000e+00 : f32
      %broadcast_in_dim3A_253 = vector.broadcast %broadcast_in_dim3A_252 : f32 to vector<1x64xf32>
      %swap3A_254 = arith.constant 0 : index
      %swap3A_255 = arith.constant 0 : index
      %swap3A_256 = vector.load %arg7[%swap3A_254, %swap3A_255] : memref<1x64xf32, #tpu.memory_space<vmem>>, vector<1x64xf32>
      tpu.vector_store %arg7[%swap3A_254, %swap3A_255], %broadcast_in_dim3A_253 {strides = array<i32>} : memref<1x64xf32, #tpu.memory_space<vmem>>, vector<1x64xf32>,
    } else {
    }
    %get3A = arith.constant 0 : index
    %get3A_2 = arith.constant 0 : index
    %get3A_3 = arith.constant 0 : index
    %get3A_4 = vector.load %arg2[%get3A, %get3A_2, %get3A_3] : memref<32x64x1024xf32, #tpu.memory_space<vmem>>, vector<32x64x1024xf32>
    %reduce_max3A = arith.constant dense<0xFF800000> : vector<32x64xf32>
    %reduce_max3A_5 = vector.multi_reduction <maximumf>, %get3A_4, %reduce_max3A [2] : vector<32x64x1024xf32> to vector<32x64xf32>
    %get3A_6 = arith.constant 0 : index
    %get3A_7 = arith.constant 0 : index
    %get3A_8 = vector.load %arg1[%get3A_6, %get3A_7] : memref<1x64xi32, #tpu.memory_space<vmem>>, vector<1x64xi32>
    %mul3A = arith.constant 32 : i32
    %mul3A_9 = arith.muli %arg0, %mul3A : i32
    %get3A_10 = arith.constant 0 : index
    %get3A_11 = arith.constant 0 : index
    %get3A_12 = vector.load %arg7[%get3A_10, %get3A_11] : memref<1x64xf32, #tpu.memory_space<vmem>>, vector<1x64xf32>
    %add3A = arith.constant 0 : i32
    %add3A_13 = arith.addi %mul3A_9, %add3A : i32
    %lt3A = vector.broadcast %add3A_13 : i32 to vector<1x64xi32>
    %lt3A_14 = arith.cmpi slt, %lt3A, %get3A_8 : vector<1x64xi32>
    %slice3A = vector.extract_strided_slice %reduce_max3A_5 {offsets = [0, 0], sizes = [1, 64], strides = [1, 1]} : vector<32x64xf32> to vector<1x64xf32>
    %add3A_15 = arith.addf %get3A_12, %slice3A : vector<1x64xf32>
    %select_n3A = arith.select %lt3A_14, %add3A_15, %get3A_12 : vector<1x64xi1>, vector<1x64xf32>
    %add3A_16 = arith.constant 1 : i32
    %add3A_17 = arith.addi %mul3A_9, %add3A_16 : i32
    %lt3A_18 = vector.broadcast %add3A_17 : i32 to vector<1x64xi32>
    %lt3A_19 = arith.cmpi slt, %lt3A_18, %get3A_8 : vector<1x64xi32>
    %slice3A_20 = vector.extract_strided_slice %reduce_max3A_5 {offsets = [1, 0], sizes = [1, 64], strides = [1, 1]} : vector<32x64xf32> to vector<1x64xf32>
    %add3A_21 = arith.addf %select_n3A, %slice3A_20 : vector<1x64xf32>
    %select_n3A_22 = arith.select %lt3A_19, %add3A_21, %select_n3A : vector<1x64xi1>, vector<1x64xf32>
    %add3A_23 = arith.constant 2 : i32
    %add3A_24 = arith.addi %mul3A_9, %add3A_23 : i32
    %lt3A_25 = vector.broadcast %add3A_24 : i32 to vector<1x64xi32>
    %lt3A_26 = arith.cmpi slt, %lt3A_25, %get3A_8 : vector<1x64xi32>
    %slice3A_27 = vector.extract_strided_slice %reduce_max3A_5 {offsets = [2, 0], sizes = [1, 64], strides = [1, 1]} : vector<32x64xf32> to vector<1x64xf32>
    %add3A_28 = arith.addf %select_n3A_22, %slice3A_27 : vector<1x64xf32>
    %select_n3A_29 = arith.select %lt3A_26, %add3A_28, %select_n3A_22 : vector<1x64xi1>, vector<1x64xf32>
    %add3A_30 = arith.constant 3 : i32
    %add3A_31 = arith.addi %mul3A_9, %add3A_30 : i32
    %lt3A_32 = vector.broadcast %add3A_31 : i32 to vector<1x64xi32>
    %lt3A_33 = arith.cmpi slt, %lt3A_32, %get3A_8 : vector<1x64xi32>
    %slice3A_34 = vector.extract_strided_slice %reduce_max3A_5 {offsets = [3, 0], sizes = [1, 64], strides = [1, 1]} : vector<32x64xf32> to vector<1x64xf32>
    %add3A_35 = arith.addf %select_n3A_29, %slice3A_34 : vector<1x64xf32>
    %select_n3A_36 = arith.select %lt3A_33, %add3A_35, %select_n3A_29 : vector<1x64xi1>, vector<1x64xf32>
    %add3A_37 = arith.constant 4 : i32
    %add3A_38 = arith.addi %mul3A_9, %add3A_37 : i32
    %lt3A_39 = vector.broadcast %add3A_38 : i32 to vector<1x64xi32>
    %lt3A_40 = arith.cmpi slt, %lt3A_39, %get3A_8 : vector<1x64xi32>
    %slice3A_41 = vector.extract_strided_slice %reduce_max3A_5 {offsets = [4, 0], sizes = [1, 64], strides = [1, 1]} : vector<32x64xf32> to vector<1x64xf32>
    %add3A_42 = arith.addf %select_n3A_36, %slice3A_41 : vector<1x64xf32>
    %select_n3A_43 = arith.select %lt3A_40, %add3A_42, %select_n3A_36 : vector<1x64xi1>, vector<1x64xf32>
    %add3A_44 = arith.constant 5 : i32
    %add3A_45 = arith.addi %mul3A_9, %add3A_44 : i32
    %lt3A_46 = vector.broadcast %add3A_45 : i32 to vector<1x64xi32>
    %lt3A_47 = arith.cmpi slt, %lt3A_46, %get3A_8 : vector<1x64xi32>
    %slice3A_48 = vector.extract_strided_slice %reduce_max3A_5 {offsets = [5, 0], sizes = [1, 64], strides = [1, 1]} : vector<32x64xf32> to vector<1x64xf32>
    %add3A_49 = arith.addf %select_n3A_43, %slice3A_48 : vector<1x64xf32>
    %select_n3A_50 = arith.select %lt3A_47, %add3A_49, %select_n3A_43 : vector<1x64xi1>, vector<1x64xf32>
    %add3A_51 = arith.constant 6 : i32
    %add3A_52 = arith.addi %mul3A_9, %add3A_51 : i32
    %lt3A_53 = vector.broadcast %add3A_52 : i32 to vector<1x64xi32>
    %lt3A_54 = arith.cmpi slt, %lt3A_53, %get3A_8 : vector<1x64xi32>
    %slice3A_55 = vector.extract_strided_slice %reduce_max3A_5 {offsets = [6, 0], sizes = [1, 64], strides = [1, 1]} : vector<32x64xf32> to vector<1x64xf32>
    %add3A_56 = arith.addf %select_n3A_50, %slice3A_55 : vector<1x64xf32>
    %select_n3A_57 = arith.select %lt3A_54, %add3A_56, %select_n3A_50 : vector<1x64xi1>, vector<1x64xf32>
    %add3A_58 = arith.constant 7 : i32
    %add3A_59 = arith.addi %mul3A_9, %add3A_58 : i32
    %lt3A_60 = vector.broadcast %add3A_59 : i32 to vector<1x64xi32>
    %lt3A_61 = arith.cmpi slt, %lt3A_60, %get3A_8 : vector<1x64xi32>
    %slice3A_62 = vector.extract_strided_slice %reduce_max3A_5 {offsets = [7, 0], sizes = [1, 64], strides = [1, 1]} : vector<32x64xf32> to vector<1x64xf32>
    %add3A_63 = arith.addf %select_n3A_57, %slice3A_62 : vector<1x64xf32>
    %select_n3A_64 = arith.select %lt3A_61, %add3A_63, %select_n3A_57 : vector<1x64xi1>, vector<1x64xf32>
    %add3A_65 = arith.constant 8 : i32
    %add3A_66 = arith.addi %mul3A_9, %add3A_65 : i32
    %lt3A_67 = vector.broadcast %add3A_66 : i32 to vector<1x64xi32>
    %lt3A_68 = arith.cmpi slt, %lt3A_67, %get3A_8 : vector<1x64xi32>
    %slice3A_69 = vector.extract_strided_slice %reduce_max3A_5 {offsets = [8, 0], sizes = [1, 64], strides = [1, 1]} : vector<32x64xf32> to vector<1x64xf32>
    %add3A_70 = arith.addf %select_n3A_64, %slice3A_69 : vector<1x64xf32>
    %select_n3A_71 = arith.select %lt3A_68, %add3A_70, %select_n3A_64 : vector<1x64xi1>, vector<1x64xf32>
    %add3A_72 = arith.constant 9 : i32
    %add3A_73 = arith.addi %mul3A_9, %add3A_72 : i32
    %lt3A_74 = vector.broadcast %add3A_73 : i32 to vector<1x64xi32>
    %lt3A_75 = arith.cmpi slt, %lt3A_74, %get3A_8 : vector<1x64xi32>
    %slice3A_76 = vector.extract_strided_slice %reduce_max3A_5 {offsets = [9, 0], sizes = [1, 64], strides = [1, 1]} : vector<32x64xf32> to vector<1x64xf32>
    %add3A_77 = arith.addf %select_n3A_71, %slice3A_76 : vector<1x64xf32>
    %select_n3A_78 = arith.select %lt3A_75, %add3A_77, %select_n3A_71 : vector<1x64xi1>, vector<1x64xf32>
    %add3A_79 = arith.constant 10 : i32
    %add3A_80 = arith.addi %mul3A_9, %add3A_79 : i32
    %lt3A_81 = vector.broadcast %add3A_80 : i32 to vector<1x64xi32>
    %lt3A_82 = arith.cmpi slt, %lt3A_81, %get3A_8 : vector<1x64xi32>
    %slice3A_83 = vector.extract_strided_slice %reduce_max3A_5 {offsets = [10, 0], sizes = [1, 64], strides = [1, 1]} : vector<32x64xf32> to vector<1x64xf32>
    %add3A_84 = arith.addf %select_n3A_78, %slice3A_83 : vector<1x64xf32>
    %select_n3A_85 = arith.select %lt3A_82, %add3A_84, %select_n3A_78 : vector<1x64xi1>, vector<1x64xf32>
    %add3A_86 = arith.constant 11 : i32
    %add3A_87 = arith.addi %mul3A_9, %add3A_86 : i32
    %lt3A_88 = vector.broadcast %add3A_87 : i32 to vector<1x64xi32>
    %lt3A_89 = arith.cmpi slt, %lt3A_88, %get3A_8 : vector<1x64xi32>
    %slice3A_90 = vector.extract_strided_slice %reduce_max3A_5 {offsets = [11, 0], sizes = [1, 64], strides = [1, 1]} : vector<32x64xf32> to vector<1x64xf32>
    %add3A_91 = arith.addf %select_n3A_85, %slice3A_90 : vector<1x64xf32>
    %select_n3A_92 = arith.select %lt3A_89, %add3A_91, %select_n3A_85 : vector<1x64xi1>, vector<1x64xf32>
    %add3A_93 = arith.constant 12 : i32
    %add3A_94 = arith.addi %mul3A_9, %add3A_93 : i32
    %lt3A_95 = vector.broadcast %add3A_94 : i32 to vector<1x64xi32>
    %lt3A_96 = arith.cmpi slt, %lt3A_95, %get3A_8 : vector<1x64xi32>
    %slice3A_97 = vector.extract_strided_slice %reduce_max3A_5 {offsets = [12, 0], sizes = [1, 64], strides = [1, 1]} : vector<32x64xf32> to vector<1x64xf32>
    %add3A_98 = arith.addf %select_n3A_92, %slice3A_97 : vector<1x64xf32>
    %select_n3A_99 = arith.select %lt3A_96, %add3A_98, %select_n3A_92 : vector<1x64xi1>, vector<1x64xf32>
    %add3A_100 = arith.constant 13 : i32
    %add3A_101 = arith.addi %mul3A_9, %add3A_100 : i32
    %lt3A_102 = vector.broadcast %add3A_101 : i32 to vector<1x64xi32>
    %lt3A_103 = arith.cmpi slt, %lt3A_102, %get3A_8 : vector<1x64xi32>
    %slice3A_104 = vector.extract_strided_slice %reduce_max3A_5 {offsets = [13, 0], sizes = [1, 64], strides = [1, 1]} : vector<32x64xf32> to vector<1x64xf32>
    %add3A_105 = arith.addf %select_n3A_99, %slice3A_104 : vector<1x64xf32>
    %select_n3A_106 = arith.select %lt3A_103, %add3A_105, %select_n3A_99 : vector<1x64xi1>, vector<1x64xf32>
    %add3A_107 = arith.constant 14 : i32
    %add3A_108 = arith.addi %mul3A_9, %add3A_107 : i32
    %lt3A_109 = vector.broadcast %add3A_108 : i32 to vector<1x64xi32>
    %lt3A_110 = arith.cmpi slt, %lt3A_109, %get3A_8 : vector<1x64xi32>
    %slice3A_111 = vector.extract_strided_slice %reduce_max3A_5 {offsets = [14, 0], sizes = [1, 64], strides = [1, 1]} : vector<32x64xf32> to vector<1x64xf32>
    %add3A_112 = arith.addf %select_n3A_106, %slice3A_111 : vector<1x64xf32>
    %select_n3A_113 = arith.select %lt3A_110, %add3A_112, %select_n3A_106 : vector<1x64xi1>, vector<1x64xf32>
    %add3A_114 = arith.constant 15 : i32
    %add3A_115 = arith.addi %mul3A_9, %add3A_114 : i32
    %lt3A_116 = vector.broadcast %add3A_115 : i32 to vector<1x64xi32>
    %lt3A_117 = arith.cmpi slt, %lt3A_116, %get3A_8 : vector<1x64xi32>
    %slice3A_118 = vector.extract_strided_slice %reduce_max3A_5 {offsets = [15, 0], sizes = [1, 64], strides = [1, 1]} : vector<32x64xf32> to vector<1x64xf32>
    %add3A_119 = arith.addf %select_n3A_113, %slice3A_118 : vector<1x64xf32>
    %select_n3A_120 = arith.select %lt3A_117, %add3A_119, %select_n3A_113 : vector<1x64xi1>, vector<1x64xf32>
    %add3A_121 = arith.constant 16 : i32
    %add3A_122 = arith.addi %mul3A_9, %add3A_121 : i32
    %lt3A_123 = vector.broadcast %add3A_122 : i32 to vector<1x64xi32>
    %lt3A_124 = arith.cmpi slt, %lt3A_123, %get3A_8 : vector<1x64xi32>
    %slice3A_125 = vector.extract_strided_slice %reduce_max3A_5 {offsets = [16, 0], sizes = [1, 64], strides = [1, 1]} : vector<32x64xf32> to vector<1x64xf32>
    %add3A_126 = arith.addf %select_n3A_120, %slice3A_125 : vector<1x64xf32>
    %select_n3A_127 = arith.select %lt3A_124, %add3A_126, %select_n3A_120 : vector<1x64xi1>, vector<1x64xf32>
    %add3A_128 = arith.constant 17 : i32
    %add3A_129 = arith.addi %mul3A_9, %add3A_128 : i32
    %lt3A_130 = vector.broadcast %add3A_129 : i32 to vector<1x64xi32>
    %lt3A_131 = arith.cmpi slt, %lt3A_130, %get3A_8 : vector<1x64xi32>
    %slice3A_132 = vector.extract_strided_slice %reduce_max3A_5 {offsets = [17, 0], sizes = [1, 64], strides = [1, 1]} : vector<32x64xf32> to vector<1x64xf32>
    %add3A_133 = arith.addf %select_n3A_127, %slice3A_132 : vector<1x64xf32>
    %select_n3A_134 = arith.select %lt3A_131, %add3A_133, %select_n3A_127 : vector<1x64xi1>, vector<1x64xf32>
    %add3A_135 = arith.constant 18 : i32
    %add3A_136 = arith.addi %mul3A_9, %add3A_135 : i32
    %lt3A_137 = vector.broadcast %add3A_136 : i32 to vector<1x64xi32>
    %lt3A_138 = arith.cmpi slt, %lt3A_137, %get3A_8 : vector<1x64xi32>
    %slice3A_139 = vector.extract_strided_slice %reduce_max3A_5 {offsets = [18, 0], sizes = [1, 64], strides = [1, 1]} : vector<32x64xf32> to vector<1x64xf32>
    %add3A_140 = arith.addf %select_n3A_134, %slice3A_139 : vector<1x64xf32>
    %select_n3A_141 = arith.select %lt3A_138, %add3A_140, %select_n3A_134 : vector<1x64xi1>, vector<1x64xf32>
    %add3A_142 = arith.constant 19 : i32
    %add3A_143 = arith.addi %mul3A_9, %add3A_142 : i32
    %lt3A_144 = vector.broadcast %add3A_143 : i32 to vector<1x64xi32>
    %lt3A_145 = arith.cmpi slt, %lt3A_144, %get3A_8 : vector<1x64xi32>
    %slice3A_146 = vector.extract_strided_slice %reduce_max3A_5 {offsets = [19, 0], sizes = [1, 64], strides = [1, 1]} : vector<32x64xf32> to vector<1x64xf32>
    %add3A_147 = arith.addf %select_n3A_141, %slice3A_146 : vector<1x64xf32>
    %select_n3A_148 = arith.select %lt3A_145, %add3A_147, %select_n3A_141 : vector<1x64xi1>, vector<1x64xf32>
    %add3A_149 = arith.constant 20 : i32
    %add3A_150 = arith.addi %mul3A_9, %add3A_149 : i32
    %lt3A_151 = vector.broadcast %add3A_150 : i32 to vector<1x64xi32>
    %lt3A_152 = arith.cmpi slt, %lt3A_151, %get3A_8 : vector<1x64xi32>
    %slice3A_153 = vector.extract_strided_slice %reduce_max3A_5 {offsets = [20, 0], sizes = [1, 64], strides = [1, 1]} : vector<32x64xf32> to vector<1x64xf32>
    %add3A_154 = arith.addf %select_n3A_148, %slice3A_153 : vector<1x64xf32>
    %select_n3A_155 = arith.select %lt3A_152, %add3A_154, %select_n3A_148 : vector<1x64xi1>, vector<1x64xf32>
    %add3A_156 = arith.constant 21 : i32
    %add3A_157 = arith.addi %mul3A_9, %add3A_156 : i32
    %lt3A_158 = vector.broadcast %add3A_157 : i32 to vector<1x64xi32>
    %lt3A_159 = arith.cmpi slt, %lt3A_158, %get3A_8 : vector<1x64xi32>
    %slice3A_160 = vector.extract_strided_slice %reduce_max3A_5 {offsets = [21, 0], sizes = [1, 64], strides = [1, 1]} : vector<32x64xf32> to vector<1x64xf32>
    %add3A_161 = arith.addf %select_n3A_155, %slice3A_160 : vector<1x64xf32>
    %select_n3A_162 = arith.select %lt3A_159, %add3A_161, %select_n3A_155 : vector<1x64xi1>, vector<1x64xf32>
    %add3A_163 = arith.constant 22 : i32
    %add3A_164 = arith.addi %mul3A_9, %add3A_163 : i32
    %lt3A_165 = vector.broadcast %add3A_164 : i32 to vector<1x64xi32>
    %lt3A_166 = arith.cmpi slt, %lt3A_165, %get3A_8 : vector<1x64xi32>
    %slice3A_167 = vector.extract_strided_slice %reduce_max3A_5 {offsets = [22, 0], sizes = [1, 64], strides = [1, 1]} : vector<32x64xf32> to vector<1x64xf32>
    %add3A_168 = arith.addf %select_n3A_162, %slice3A_167 : vector<1x64xf32>
    %select_n3A_169 = arith.select %lt3A_166, %add3A_168, %select_n3A_162 : vector<1x64xi1>, vector<1x64xf32>
    %add3A_170 = arith.constant 23 : i32
    %add3A_171 = arith.addi %mul3A_9, %add3A_170 : i32
    %lt3A_172 = vector.broadcast %add3A_171 : i32 to vector<1x64xi32>
    %lt3A_173 = arith.cmpi slt, %lt3A_172, %get3A_8 : vector<1x64xi32>
    %slice3A_174 = vector.extract_strided_slice %reduce_max3A_5 {offsets = [23, 0], sizes = [1, 64], strides = [1, 1]} : vector<32x64xf32> to vector<1x64xf32>
    %add3A_175 = arith.addf %select_n3A_169, %slice3A_174 : vector<1x64xf32>
    %select_n3A_176 = arith.select %lt3A_173, %add3A_175, %select_n3A_169 : vector<1x64xi1>, vector<1x64xf32>
    %add3A_177 = arith.constant 24 : i32
    %add3A_178 = arith.addi %mul3A_9, %add3A_177 : i32
    %lt3A_179 = vector.broadcast %add3A_178 : i32 to vector<1x64xi32>
    %lt3A_180 = arith.cmpi slt, %lt3A_179, %get3A_8 : vector<1x64xi32>
    %slice3A_181 = vector.extract_strided_slice %reduce_max3A_5 {offsets = [24, 0], sizes = [1, 64], strides = [1, 1]} : vector<32x64xf32> to vector<1x64xf32>
    %add3A_182 = arith.addf %select_n3A_176, %slice3A_181 : vector<1x64xf32>
    %select_n3A_183 = arith.select %lt3A_180, %add3A_182, %select_n3A_176 : vector<1x64xi1>, vector<1x64xf32>
    %add3A_184 = arith.constant 25 : i32
    %add3A_185 = arith.addi %mul3A_9, %add3A_184 : i32
    %lt3A_186 = vector.broadcast %add3A_185 : i32 to vector<1x64xi32>
    %lt3A_187 = arith.cmpi slt, %lt3A_186, %get3A_8 : vector<1x64xi32>
    %slice3A_188 = vector.extract_strided_slice %reduce_max3A_5 {offsets = [25, 0], sizes = [1, 64], strides = [1, 1]} : vector<32x64xf32> to vector<1x64xf32>
    %add3A_189 = arith.addf %select_n3A_183, %slice3A_188 : vector<1x64xf32>
    %select_n3A_190 = arith.select %lt3A_187, %add3A_189, %select_n3A_183 : vector<1x64xi1>, vector<1x64xf32>
    %add3A_191 = arith.constant 26 : i32
    %add3A_192 = arith.addi %mul3A_9, %add3A_191 : i32
    %lt3A_193 = vector.broadcast %add3A_192 : i32 to vector<1x64xi32>
    %lt3A_194 = arith.cmpi slt, %lt3A_193, %get3A_8 : vector<1x64xi32>
    %slice3A_195 = vector.extract_strided_slice %reduce_max3A_5 {offsets = [26, 0], sizes = [1, 64], strides = [1, 1]} : vector<32x64xf32> to vector<1x64xf32>
    %add3A_196 = arith.addf %select_n3A_190, %slice3A_195 : vector<1x64xf32>
    %select_n3A_197 = arith.select %lt3A_194, %add3A_196, %select_n3A_190 : vector<1x64xi1>, vector<1x64xf32>
    %add3A_198 = arith.constant 27 : i32
    %add3A_199 = arith.addi %mul3A_9, %add3A_198 : i32
    %lt3A_200 = vector.broadcast %add3A_199 : i32 to vector<1x64xi32>
    %lt3A_201 = arith.cmpi slt, %lt3A_200, %get3A_8 : vector<1x64xi32>
    %slice3A_202 = vector.extract_strided_slice %reduce_max3A_5 {offsets = [27, 0], sizes = [1, 64], strides = [1, 1]} : vector<32x64xf32> to vector<1x64xf32>
    %add3A_203 = arith.addf %select_n3A_197, %slice3A_202 : vector<1x64xf32>
    %select_n3A_204 = arith.select %lt3A_201, %add3A_203, %select_n3A_197 : vector<1x64xi1>, vector<1x64xf32>
    %add3A_205 = arith.constant 28 : i32
    %add3A_206 = arith.addi %mul3A_9, %add3A_205 : i32
    %lt3A_207 = vector.broadcast %add3A_206 : i32 to vector<1x64xi32>
    %lt3A_208 = arith.cmpi slt, %lt3A_207, %get3A_8 : vector<1x64xi32>
    %slice3A_209 = vector.extract_strided_slice %reduce_max3A_5 {offsets = [28, 0], sizes = [1, 64], strides = [1, 1]} : vector<32x64xf32> to vector<1x64xf32>
    %add3A_210 = arith.addf %select_n3A_204, %slice3A_209 : vector<1x64xf32>
    %select_n3A_211 = arith.select %lt3A_208, %add3A_210, %select_n3A_204 : vector<1x64xi1>, vector<1x64xf32>
    %add3A_212 = arith.constant 29 : i32
    %add3A_213 = arith.addi %mul3A_9, %add3A_212 : i32
    %lt3A_214 = vector.broadcast %add3A_213 : i32 to vector<1x64xi32>
    %lt3A_215 = arith.cmpi slt, %lt3A_214, %get3A_8 : vector<1x64xi32>
    %slice3A_216 = vector.extract_strided_slice %reduce_max3A_5 {offsets = [29, 0], sizes = [1, 64], strides = [1, 1]} : vector<32x64xf32> to vector<1x64xf32>
    %add3A_217 = arith.addf %select_n3A_211, %slice3A_216 : vector<1x64xf32>
    %select_n3A_218 = arith.select %lt3A_215, %add3A_217, %select_n3A_211 : vector<1x64xi1>, vector<1x64xf32>
    %add3A_219 = arith.constant 30 : i32
    %add3A_220 = arith.addi %mul3A_9, %add3A_219 : i32
    %lt3A_221 = vector.broadcast %add3A_220 : i32 to vector<1x64xi32>
    %lt3A_222 = arith.cmpi slt, %lt3A_221, %get3A_8 : vector<1x64xi32>
    %slice3A_223 = vector.extract_strided_slice %reduce_max3A_5 {offsets = [30, 0], sizes = [1, 64], strides = [1, 1]} : vector<32x64xf32> to vector<1x64xf32>
    %add3A_224 = arith.addf %select_n3A_218, %slice3A_223 : vector<1x64xf32>
    %select_n3A_225 = arith.select %lt3A_222, %add3A_224, %select_n3A_218 : vector<1x64xi1>, vector<1x64xf32>
    %add3A_226 = arith.constant 31 : i32
    %add3A_227 = arith.addi %mul3A_9, %add3A_226 : i32
    %lt3A_228 = vector.broadcast %add3A_227 : i32 to vector<1x64xi32>
    %lt3A_229 = arith.cmpi slt, %lt3A_228, %get3A_8 : vector<1x64xi32>
    %slice3A_230 = vector.extract_strided_slice %reduce_max3A_5 {offsets = [31, 0], sizes = [1, 64], strides = [1, 1]} : vector<32x64xf32> to vector<1x64xf32>
    %add3A_231 = arith.addf %select_n3A_225, %slice3A_230 : vector<1x64xf32>
    %select_n3A_232 = arith.select %lt3A_229, %add3A_231, %select_n3A_225 : vector<1x64xi1>, vector<1x64xf32>
    %swap3A = arith.constant 0 : index
    %swap3A_233 = arith.constant 0 : index
    %swap3A_234 = vector.load %arg7[%swap3A, %swap3A_233] : memref<1x64xf32, #tpu.memory_space<vmem>>, vector<1x64xf32>
    tpu.vector_store %arg7[%swap3A, %swap3A_233], %select_n3A_232 {strides = array<i32>} : memref<1x64xf32, #tpu.memory_space<vmem>>, vector<1x64xf32>,
    %concatenate3A = tpu.concatenate %get3A_12, %select_n3A, %select_n3A_22, %select_n3A_29, %select_n3A_36, %select_n3A_43, %select_n3A_50, %select_n3A_57, %select_n3A_64, %select_n3A_71, %select_n3A_78, %select_n3A_85, %select_n3A_92, %select_n3A_99, %select_n3A_106, %select_n3A_113, %select_n3A_120, %select_n3A_127, %select_n3A_134, %select_n3A_141, %select_n3A_148, %select_n3A_155, %select_n3A_162, %select_n3A_169, %select_n3A_176, %select_n3A_183, %select_n3A_190, %select_n3A_197, %select_n3A_204, %select_n3A_211, %select_n3A_218, %select_n3A_225 in 0 : vector<1x64xf32>, vector<1x64xf32>, vector<1x64xf32>, vector<1x64xf32>, vector<1x64xf32>, vector<1x64xf32>, vector<1x64xf32>, vector<1x64xf32>, vector<1x64xf32>, vector<1x64xf32>, vector<1x64xf32>, vector<1x64xf32>, vector<1x64xf32>, vector<1x64xf32>, vector<1x64xf32>, vector<1x64xf32>, vector<1x64xf32>, vector<1x64xf32>, vector<1x64xf32>, vector<1x64xf32>, vector<1x64xf32>, vector<1x64xf32>, vector<1x64xf32>, vector<1x64xf32>, vector<1x64xf32>, vector<1x64xf32>, vector<1x64xf32>, vector<1x64xf32>, vector<1x64xf32>, vector<1x64xf32>, vector<1x64xf32>, vector<1x64xf32> -> vector<32x64xf32>
    %broadcast_in_dim3A = vector.shape_cast %concatenate3A : vector<32x64xf32> to vector<32x64x1xf32>
    %add3A_235 = vector.broadcast %broadcast_in_dim3A : vector<32x64x1xf32> to vector<32x64x1024xf32>
    %add3A_236 = arith.addf %add3A_235, %get3A_4 : vector<32x64x1024xf32>
    %add3A_237 = arith.addf %concatenate3A, %reduce_max3A_5 : vector<32x64xf32>
    %iota3A = tpu.iota {dimensions = array<i32: 2>} : vector<32x64x1024xi32>
    %broadcast_in_dim3A_238 = vector.shape_cast %add3A_237 : vector<32x64xf32> to vector<32x64x1xf32>
    %eq3A_239 = vector.broadcast %broadcast_in_dim3A_238 : vector<32x64x1xf32> to vector<32x64x1024xf32>
    %eq3A_240 = arith.cmpf oeq, %add3A_236, %eq3A_239 : vector<32x64x1024xf32>
    %jit3A = arith.constant 1024 : i32
    %broadcast_in_dim3A_241 = vector.broadcast %jit3A : i32 to vector<32x64x1024xi32>
    %select_n3A_242 = arith.select %eq3A_240, %iota3A, %broadcast_in_dim3A_241 : vector<32x64x1024xi1>, vector<32x64x1024xi32>
    %reduce_min3A = arith.constant dense<2147483647> : vector<32x64xi32>
    %reduce_min3A_243 = vector.multi_reduction <minsi>, %select_n3A_242, %reduce_min3A [2] : vector<32x64x1024xi32> to vector<32x64xi32>
    %swap3A_244 = arith.index_cast %mul3A_9 : i32 to index
    %swap3A_245 = arith.constant 0 : index
    %swap3A_246 = vector.load %arg8[%swap3A_244, %swap3A_245] : memref<512x64xi32, #tpu.memory_space<vmem>>, vector<32x64xi32>
    tpu.vector_store %arg8[%swap3A_244, %swap3A_245], %reduce_min3A_243 {strides = array<i32>} : memref<512x64xi32, #tpu.memory_space<vmem>>, vector<32x64xi32>,
    %eq3A_247 = arith.constant 15 : i32
    %eq3A_248 = arith.cmpi eq, %arg0, %eq3A_247 : i32
    %convert_element_type3A_249 = arith.extui %eq3A_248 : i1 to i32
    %cond3A_250 = arith.constant 0 : i32
    %cond3A_251 = arith.cmpi ne, %convert_element_type3A_249, %cond3A_250 : i32
    scf.if %cond3A_251 {
      %get3A_252 = arith.constant 0 : index
      %get3A_253 = arith.constant 0 : index
      %get3A_254 = vector.load %arg7[%get3A_252, %get3A_253] : memref<1x64xf32, #tpu.memory_space<vmem>>, vector<1x64xf32>
      %neg3A = arith.constant 0.000000e+00 : f32
      %neg3A_255 = vector.broadcast %neg3A : f32 to vector<1x64xf32>
      %neg3A_256 = arith.subf %neg3A_255, %get3A_254 : vector<1x64xf32>
      %swap3A_257 = arith.constant 0 : index
      %swap3A_258 = arith.constant 0 : index
      %swap3A_259 = vector.load %arg3[%swap3A_257, %swap3A_258] : memref<1x64xf32, #tpu.memory_space<vmem>>, vector<1x64xf32>
      tpu.vector_store %arg3[%swap3A_257, %swap3A_258], %neg3A_256 {strides = array<i32>} : memref<1x64xf32, #tpu.memory_space<vmem>>, vector<1x64xf32>,
      %get3A_260 = arith.constant 0 : index
      %get3A_261 = arith.constant 0 : index
      %get3A_262 = vector.load %arg8[%get3A_260, %get3A_261] : memref<512x64xi32, #tpu.memory_space<vmem>>, vector<512x64xi32>
      %transpose3A = tpu.transpose %get3A_262, [1, 0] : vector<512x64xi32> -> vector<64x512xi32>
      %reshape3A = vector.shape_cast %get3A_8 : vector<1x64xi32> to vector<64x1xi32>
      %iota3A_263 = tpu.iota {dimensions = array<i32: 1>} : vector<64x512xi32>
      %lt3A_264 = vector.broadcast %reshape3A : vector<64x1xi32> to vector<64x512xi32>
      %lt3A_265 = arith.cmpi slt, %iota3A_263, %lt3A_264 : vector<64x512xi32>
      %jit3A_266 = arith.constant 0 : i32
      %broadcast_in_dim3A_267 = vector.broadcast %jit3A_266 : i32 to vector<64x512xi32>
      %select_n3A_268 = arith.select %lt3A_265, %transpose3A, %broadcast_in_dim3A_267 : vector<64x512xi1>, vector<64x512xi32>
      %broadcast_in_dim3A_269 = arith.constant -1 : i32
      %broadcast_in_dim3A_270 = vector.broadcast %broadcast_in_dim3A_269 : i32 to vector<64x1xi32>
      %slice3A_271 = vector.extract_strided_slice %select_n3A_268 {offsets = [0, 0], sizes = [64, 511], strides = [1, 1]} : vector<64x512xi32> to vector<64x511xi32>
      %concatenate3A_272 = tpu.concatenate %broadcast_in_dim3A_270, %slice3A_271 in 1 : vector<64x1xi32>, vector<64x511xi32> -> vector<64x512xi32>
      %ne3A = arith.constant 0 : i32
      %ne3A_273 = vector.broadcast %ne3A : i32 to vector<64x512xi32>
      %ne3A_274 = arith.cmpi ne, %select_n3A_268, %ne3A_273 : vector<64x512xi32>
      %and3A = arith.andi %lt3A_265, %ne3A_274 : vector<64x512xi1>
      %ne3A_275 = arith.cmpi ne, %select_n3A_268, %concatenate3A_272 : vector<64x512xi32>
      %and3A_276 = arith.andi %and3A, %ne3A_275 : vector<64x512xi1>
      %convert_element_type3A_277 = arith.extui %and3A_276 : vector<64x512xi1> to vector<64x512xi32>
      %convert_element_type3A_278 = arith.sitofp %convert_element_type3A_277 : vector<64x512xi32> to vector<64x512xf32>
      %iota3A_279 = tpu.iota {dimensions = array<i32: 0>} : vector<512x512xi32>
      %iota3A_280 = tpu.iota {dimensions = array<i32: 1>} : vector<512x512xi32>
      %le3A = arith.cmpi sle, %iota3A_279, %iota3A_280 : vector<512x512xi32>
      %convert_element_type3A_281 = arith.extui %le3A : vector<512x512xi1> to vector<512x512xi32>
      %convert_element_type3A_282 = arith.sitofp %convert_element_type3A_281 : vector<512x512xi32> to vector<512x512xf32>
      %dot_general3A = arith.constant dense<0.000000e+00> : vector<64x512xf32>
      %dot_general3A_283 = tpu.matmul %convert_element_type3A_278, %convert_element_type3A_282, %dot_general3A {dimension_numbers = #tpu.dot_dimension_numbers<[1], [0], [0], [1], [0, 0, 1, 1], [], []>, transpose_lhs_hint = false} : vector<64x512xf32>, vector<512x512xf32>, vector<64x512xf32> -> vector<64x512xf32>
      %convert_element_type3A_284 = arith.fptosi %dot_general3A_283 : vector<64x512xf32> to vector<64x512xi32>
      %slice3A_285 = vector.extract_strided_slice %convert_element_type3A_284 {offsets = [0, 511], sizes = [64, 1], strides = [1, 1]} : vector<64x512xi32> to vector<64x1xi32>
      %swap3A_286 = arith.constant 0 : index
      %swap3A_287 = arith.constant 0 : index
      %swap3A_288 = vector.load %arg4[%swap3A_286, %swap3A_287] : memref<64x1xi32, #tpu.memory_space<vmem>>, vector<64x1xi32>
      tpu.vector_store %arg4[%swap3A_286, %swap3A_287], %slice3A_285 {strides = array<i32>} : memref<64x1xi32, #tpu.memory_space<vmem>>, vector<64x1xi32>,
      %and3A_289 = arith.constant 15 : i32
      %and3A_290 = vector.broadcast %and3A_289 : i32 to vector<64x512xi32>
      %and3A_291 = arith.andi %iota3A_263, %and3A_290 : vector<64x512xi32>
      %add3A_292 = arith.constant 512 : i32
      %add3A_293 = vector.broadcast %add3A_292 : i32 to vector<64x512xi32>
      %add3A_294 = arith.addi %add3A_293, %and3A_291 : vector<64x512xi32>
      %sub3A = arith.constant 1 : i32
      %sub3A_295 = vector.broadcast %sub3A : i32 to vector<64x512xi32>
      %sub3A_296 = arith.subi %convert_element_type3A_284, %sub3A_295 : vector<64x512xi32>
      %select_n3A_297 = arith.select %and3A_276, %sub3A_296, %add3A_294 : vector<64x512xi1>, vector<64x512xi32>
      %swap3A_298 = arith.constant 0 : index
      %swap3A_299 = arith.constant 0 : index
      %swap3A_300 = vector.load %arg5[%swap3A_298, %swap3A_299] : memref<64x512xi32, #tpu.memory_space<vmem>>, vector<64x512xi32>
      tpu.vector_store %arg5[%swap3A_298, %swap3A_299], %select_n3A_297 {strides = array<i32>} : memref<64x512xi32, #tpu.memory_space<vmem>>, vector<64x512xi32>,
      %swap3A_301 = arith.constant 0 : index
      %swap3A_302 = arith.constant 0 : index
      %swap3A_303 = vector.load %arg6[%swap3A_301, %swap3A_302] : memref<64x512xi32, #tpu.memory_space<vmem>>, vector<64x512xi32>
      tpu.vector_store %arg6[%swap3A_301, %swap3A_302], %select_n3A_268 {strides = array<i32>} : memref<64x512xi32, #tpu.memory_space<vmem>>, vector<64x512xi32>,
    } else {
    }
    return
  }
  func.func @transform_0(%arg0: i32) -> (i32, i32) {
    %c0_i32 = arith.constant 0 : i32
    %c0_i32_0 = arith.constant 0 : i32
    %c0_i32_1 = arith.constant 0 : i32
    return %c0_i32, %c0_i32_0 : i32, i32
  }
  func.func @transform_1(%arg0: i32) -> (i32, i32, i32) {
    %c0_i32 = arith.constant 0 : i32
    %c0_i32_0 = arith.constant 0 : i32
    %c0_i32_1 = arith.constant 0 : i32
    return %arg0, %c0_i32, %c0_i32_0 : i32, i32, i32
  }
  func.func @transform_2(%arg0: i32) -> (i32, i32) {
    %c0_i32 = arith.constant 0 : i32
    %c0_i32_0 = arith.constant 0 : i32
    %c0_i32_1 = arith.constant 0 : i32
    return %c0_i32, %c0_i32_0 : i32, i32
  }
  func.func @transform_3(%arg0: i32) -> (i32, i32) {
    %c0_i32 = arith.constant 0 : i32
    %c0_i32_0 = arith.constant 0 : i32
    %c0_i32_1 = arith.constant 0 : i32
    return %c0_i32, %c0_i32_0 : i32, i32
  }
  func.func @transform_4(%arg0: i32) -> (i32, i32) {
    %c0_i32 = arith.constant 0 : i32
    %c0_i32_0 = arith.constant 0 : i32
    %c0_i32_1 = arith.constant 0 : i32
    return %c0_i32, %c0_i32_0 : i32, i32
  }
  func.func @transform_5(%arg0: i32) -> (i32, i32) {
    %c0_i32 = arith.constant 0 : i32
    %c0_i32_0 = arith.constant 0 : i32
    %c0_i32_1 = arith.constant 0 : i32
    return %c0_i32, %c0_i32_0 : i32, i32
  }
}

</mosaic_0001>

<sc_bundles>
// kernel: kernel.4.cloned.1.call-start
scs
__scs_entry_jumppad:
0x0: {  	(pc) =	sbr.rel $0x88, $3  }
0x1: {  	(tag) =	ssettag $0x0;
	lr =	simm.s32 $0x1  }
0x2: {  	[smem:$0x3F9F] =	sst lr;
	_ =	strace $0xD0000000  }
0x3: {  	_ = 	snop  }
0x4: {  	_ = 	snop  }
0x5: {  	_ = 	snop  }
0x6: {  	_ = 	snop  }
0x7: {  	_ = 	snop  }
__scs_overlays_trampoline_lowered:
0x8: {  	[smem:$0x3FAE] =	sst s0  }
0x9: {  	[smem:$0x3FAF] =	sst s1  }
0xa: {  	[smem:$0x3FB0] =	sst s2  }
0xb: {  	[smem:$0x3FB1] =	sst s3  }
0xc: {  	[smem:$0x3FB2] =	sst s4  }
0xd: {  	[smem:$0x3FB3] =	sst s5  }
0xe: {  	[smem:$0x3FB4] =	sst s6  }
0xf: {  	[smem:$0x3FB5] =	sst s7  }
0x10: {  	[smem:$0x3FB6] =	sst s8  }
0x11: {  	[smem:$0x3FB7] =	sst s9;
	s0 =	simm.s32 @!p0 $0x0  }
0x12: {  	s1 =	sld [smem:$0x3F9D];
	s0 =	simm.s32 @p0 $0x1  }
0x13: {  	[smem:$0x3FB8] =	sst s0;
	s0 =	simm.s32 @!p1 $0x0  }
0x14: {  	s2 =	sld [smem:$0x3F9C];
	s0 =	simm.s32 @p1 $0x1  }
0x15: {  	[smem:$0x3FB9] =	sst s0;
	s0 =	simm.s32 @!p2 $0x0  }
0x16: {  	s3 =	sld [smem:$0x3FDB];
	s0 =	simm.s32 @p2 $0x1  }
0x17: {  	s4 =	simm.s32 $0x1BF5;
	[smem:$0x3FBB] =	sst s0  }
0x18: {  	s0 =	sld [smem:$0x3F9E];
	_ =	swait.ge [sflag:s4], $0x0  }
0x19: {  	s7 =	sld [smem:$0x3F9F]  }
0x1a: {  	s8 =	sadd.s32 $0xFFFFE003, lr  }
0x1b: {  	s9 =	sadd.s32 $0xFFFFFEF7, lr;
	s5 =	simm.s32 $0xFFFFFFFF;
	p2 =	slt.u32 s8, $0xFFFFF086  }
0x1c: {  	p1 =	slt.u32 s9, $0xF7A;
	s5 =	simm.s32 @!p2 $0x0  }
0x1d: {  	s5 =	simm.s32 @p1 $0x1;
	p0 =	seq.s32 s7, s2  }
0x1e: {  	s7 =	smul.u32 @!p0 $0xF7A, s2;
	p2 =	seq.s32 @!p0 s5, $0x0  }
0x1f: {  	s9 =	smul.u32 $0xF7A, s1;
	s8 =	simm.s32 @!p0 $0x1BF5;
	p2 =	por !p2, p0  }
0x20: {  	[sflag:s8] =	ssyncset.s32 @!p0 $0xFFFFF086;
	s6 =	sadd.s32 @!p0 s3, s7;
	s7 =	simm.s32 @!p0 $0x108  }
0x21: {  	s3 =	sadd.s32 s3, s9;
	s6 =	sadd.s32 @!p0 $0x88, s6;
	s7 =	simm.s32 @p2 $0x1082  }
0x22: {  	[simem:s7], [sflag:s8] =	dma.local @!p0 [hbm:s6], $0xF7A  }
0x23: {  	s9 =	sor.u32 $0xD0000000, s2;
	s6 =	simm.s32 $0x108;
	_ =	swait.ge @!p0 [sflag:s8], $0x0  }
0x24: {  	s3 =	sadd.s32 $0x88, s3;
	s6 =	simm.s32 @!p1 $0x1082;
	[sflag:s4] =	ssyncset.s32 $0xFFFFF086  }
0x25: {  	[simem:s6], [sflag:s4] =	dma.local [hbm:s3], $0xF7A  }
0x26: {  	[smem:$0x3F9F] =	sst s1;
	(tag) =	ssettag s2;
	_ =	strace s9  }
0x27: {  	s1 =	sld [smem:$0x3FAF]  }
0x28: {  	s2 =	sld [smem:$0x3FB0]  }
0x29: {  	s4 =	sld [smem:$0x3FB2]  }
0x2a: {  	p0 =	seq.s32 s5, $0x0;
	s5 =	sld [smem:$0x3FB3]  }
0x2b: {  	s6 =	sld [smem:$0x3FB4]  }
0x2c: {  	s7 =	sld [smem:$0x3FB5]  }
0x2d: {  	s3 =	simm.s32 $0x108;
	s8 =	sld [smem:$0x3FB6]  }
0x2e: {  	s3 =	simm.s32 @!p0 $0x1082;
	s9 =	sld [smem:$0x3FB7]  }
0x2f: {  	lr =	sadd.s32 s0, s3;
	s0 =	sld [smem:$0x3FAE]  }
0x30: {  	s3 =	sld [smem:$0x3FB1]  }
0x31: {  	[smem:$0x3FBA] =	sst s10  }
0x32: {  	s10 =	sld [smem:$0x3FB8];
	_ =	sdelay $0x3  }
0x33: {  	p0 =	seq.s32 s10, $0x1;
	s10 =	sld [smem:$0x3FBA];
	_ =	sdelay $0x3  }
0x34: {  	[smem:$0x3FBA] =	sst s10  }
0x35: {  	s10 =	sld [smem:$0x3FB9];
	_ =	sdelay $0x3  }
0x36: {  	p1 =	seq.s32 s10, $0x1;
	s10 =	sld [smem:$0x3FBA];
	_ =	sdelay $0x3  }
0x37: {  	[smem:$0x3FBA] =	sst s10  }
0x38: {  	s10 =	sld [smem:$0x3FBB]  }
0x39: {  	_ = 	snop;
	(pc) =	sbr.ind lr, $3  }
0x3a: {  	_ = 	snop  }
0x3b: {  	_ = 	snop  }
0x3c: {  	p2 =	seq.s32 s10, $0x1;
	s10 =	sld [smem:$0x3FBA]  }
0x3d: {  	_ =	shalt  }
0x3e: {  	_ =	shalt  }
0x3f: {  	_ =	shalt  }
0x40: {  	_ =	shalt  }
0x41: {  	_ =	shalt  }
0x42: {  	_ =	shalt  }
0x43: {  	_ =	shalt  }
0x44: {  	_ =	shalt  }
0x45: {  	_ =	shalt  }
0x46: {  	_ =	shalt  }
0x47: {  	_ =	shalt  }
0x48: {  	_ =	shalt  }
0x49: {  	_ =	shalt  }
0x4a: {  	_ =	shalt  }
0x4b: {  	_ =	shalt  }
0x4c: {  	_ =	shalt  }
0x4d: {  	_ =	shalt  }
0x4e: {  	_ =	shalt  }
0x4f: {  	_ =	shalt  }
0x50: {  	_ =	shalt  }
0x51: {  	_ =	shalt  }
0x52: {  	_ =	shalt  }
0x53: {  	_ =	shalt  }
0x54: {  	_ =	shalt  }
0x55: {  	_ =	shalt  }
0x56: {  	_ =	shalt  }
0x57: {  	_ =	shalt  }
0x58: {  	_ =	shalt  }
0x59: {  	_ =	shalt  }
0x5a: {  	_ =	shalt  }
0x5b: {  	_ =	shalt  }
0x5c: {  	_ =	shalt  }
0x5d: {  	_ =	shalt  }
0x5e: {  	_ =	shalt  }
0x5f: {  	_ =	shalt  }
0x60: {  	_ =	shalt  }
0x61: {  	_ =	shalt  }
0x62: {  	_ =	shalt  }
0x63: {  	_ =	shalt  }
0x64: {  	_ =	shalt  }
0x65: {  	_ =	shalt  }
0x66: {  	_ =	shalt  }
0x67: {  	_ =	shalt  }
0x68: {  	_ =	shalt  }
0x69: {  	_ =	shalt  }
0x6a: {  	_ =	shalt  }
0x6b: {  	_ =	shalt  }
0x6c: {  	_ =	shalt  }
0x6d: {  	_ =	shalt  }
0x6e: {  	_ =	shalt  }
0x6f: {  	_ =	shalt  }
0x70: {  	_ =	shalt  }
0x71: {  	_ =	shalt  }
0x72: {  	_ =	shalt  }
0x73: {  	_ =	shalt  }
0x74: {  	_ =	shalt  }
0x75: {  	_ =	shalt  }
0x76: {  	_ =	shalt  }
0x77: {  	_ =	shalt  }
0x78: {  	_ =	shalt  }
0x79: {  	_ =	shalt  }
0x7a: {  	_ =	shalt  }
0x7b: {  	_ =	shalt  }
0x7c: {  	_ =	shalt  }
0x7d: {  	_ =	shalt  }
0x7e: {  	_ =	shalt  }
0x7f: {  	_ =	shalt  }
0x80: {  	_ =	shalt  }
0x81: {  	_ =	shalt  }
0x82: {  	_ =	shalt  }
0x83: {  	_ =	shalt  }
0x84: {  	_ =	shalt  }
0x85: {  	_ =	shalt  }
0x86: {  	_ =	shalt  }
0x87: {  	_ =	shalt  }
.Lfunc_end0:
.L_simem_size_0:
called_computation_lowered:
.L_overlay_start_0:
0x88: {  	s2 =	sld [smem:$0x3FD9]  }
0x89: {  	s3 =	sld [smem:$0x3FFE];
	_ =	sdelay $0x1  }
0x8a: {  	s1 =	srdreg.scid  }
0x8b: {  	s0 =	sand.u32 $0x1, s1  }
0x8c: {  	s14 =	sshll.u32 s0, $0xA;
	s2 =	sadd.s32 s3, s2  }
0x8d: {  	s2 =	sadd.s32 s2, s14  }
0x8e: {  	[smem:$0x3FC6] =	sst s2  }
0x8f: {  	_ = 	snop  }
0x90: {  	s2 =	sld [smem:$0x3FD0];
	_ =	sdelay $0x2  }
0x91: {  	s15 =	simm.s32 $0xA;
	s4 =	simm.s32 $0x10  }
0x92: {  	[smem:s4], [sflag:s15] =	dma.local [hbm:s2], $0x1  }
0x93: {  	_ =	swait.eq [sflag:s15], $0x1  }
0x94: {  	[sflag:s15] =	ssyncset.done $0x0  }
0x95: {  	[sflag:s15] =	ssyncadd.s32 $0xFFFFFFFF  }
0x96: {  	s16 =	sld [smem:$0x12];
	(tm) =	ssettm $0x1  }
0x97: {  	s17 =	sld [smem:$0x3FFB];
	_ =	sdelay $0x3  }
0x98: {  	_ =	strace s17  }
0x99: {  	s3 =	sld [smem:$0x3FFC];
	_ =	sdelay $0x3  }
0x9a: {  	_ =	strace s3  }
0x9b: {  	s3 =	sld [smem:$0x3FFD];
	_ =	sdelay $0x3  }
0x9c: {  	_ =	strace s3  }
0x9d: {  	_ =	strace $0x8FFFFFFF  }
0x9e: {  	s18 =	sld [smem:$0x3FDB];
	_ =	sdelay $0x1  }
0x9f: {  	s19 =	simm.s32 $_scs_section_size  }
0xa0: {  	s5 =	simm.s32 $_size__tile_overlayer_lowered;
	s6 =	simm.s32 $_tile_overlayer_lowered  }
0xa1: {  	s22 =	simm.s32 $0x1BFF;
	s21 =	sshll.u32 s6, $0x1;
	s3 =	sadd.s32 s19, s18  }
0xa2: {  	s7 =	simm.s32 $0x0;
	s20 =	sshll.u32 s5, $0x1;
	s5 =	sadd.s32 s21, s3  }
0xa3: {  	[timem:s7], [sflag:s22] =	dma.local [hbm:s5], s20  }
0xa4: {  	_ =	swait.ge [sflag:s22], s20  }
0xa5: {  	s4 =	ssub.s32 $0x0, s20;
	[sflag:s22] =	ssyncset.done $0x0  }
0xa6: {  	[sflag:s22] =	ssyncadd.s32 s4;
	_ =	sdelay $0x1  }
0xa7: {  	s23 =	simm.s32 $0x1B8B  }
0xa8: {  	_ =	swait.ge [sflag:s23], $0x1  }
0xa9: {  	[sflag:s23] =	ssyncset.done $0x0  }
0xaa: {  	s25 =	simm.s32 $0x1B8E;
	s24 =	sld [smem:$0x3FFE];
	[sflag:s23] =	ssyncadd.s32 $0xFFFFFFFF  }
0xab: {  	s26 =	simm.s32 $execute0_lowered;
	[smem:$0x3FD2] =	sst s25  }
0xac: {  	s5 =	sshll.u32 s26, $0x1;
	_ =	strace $0x80000046;
	[dreg:$0x1] =	wrdreg $0xFFFFFFFF  }
0xad: {  	s28 =	simm.s32 $_size_execute0_lowered;
	s3 =	sadd.s32 s3, s5;
	[dreg:$0x0] =	wrdreg $0x0  }
0xae: {  	s5 =	sshll.u32 s28, $0x1;
	[dreg:$0x2] =	wrdreg s3  }
0xaf: {  	[dreg:$0x3] =	wrdreg s5  }
0xb0: {  	[dreg:$0x4] =	wrdreg $0xC0  }
0xb1: {  	_ =	task [dreg:s7], $0x5FFFF  }
0xb2: {  	[dreg:$0x1] =	wrdreg $0xFFFFFFFF  }
0xb3: {  	[dreg:$0x0] =	wrdreg $0x60  }
0xb4: {  	[dreg:$0x2] =	wrdreg s24  }
0xb5: {  	[dreg:$0x3] =	wrdreg s16  }
0xb6: {  	[dreg:$0x4] =	wrdreg $0x9  }
0xb7: {  	_ =	task.clear_ibuf [dreg:s7], $0x5FFFF;
	_ =	strace $0x90000046  }
0xb8: {  	s29 =	simm.s32 $0x9;
	_ =	strace $0x80000048  }
0xb9: {  	_ =	swait.ge [sflag:s29], $0x1  }
0xba: {  	[sflag:s29] =	ssyncadd.s32 $0xFFFFFFFF  }
0xbb: {  	_ =	strace $0x90000048  }
0xbc: {  	_ =	sfence  }
0xbd: {  	s30 =	sld [smem:$0x0];
	_ =	sdelay $0x2  }
0xbe: {  	s31 =	sshll.u32 s1, $0xD;
	s1 =	sshrl.u32 s1, $0x2  }
0xbf: {  	s3 =	sand.u32 $0x4000, s31;
	s1 =	sadd.s32 s1, s30  }
0xc0: {  	s0 =	sor.u32 s3, s0;
	s1 =	sshll.u32 s1, $0x11  }
0xc1: {  	s0 =	sor.u32 s1, s0  }
0xc2: {  	s0 =	sadd.s32 $0x8F2B, s0  }
0xc3: {  	[sflag:s0] =	ssyncadd.remote.s32 $0x1  }
0xc4: {  	_ =	sfence.sel $0xFFFF  }
0xc5: {  	[dreg:$0x0] =	wrdreg $0xFFFFFFFF;
	(pc) =	sbr.abs _section_cstart, $3  }
0xc6: {  	[dreg:$0x1] =	wrdreg $0xFFFFFFFF  }
0xc7: {  	_ =	task.clear_ibuf [dreg:s7], $0x2FFFF;
	_ =	strace $0x9FFFFFFF  }
0xc8: {  	(tm) =	ssettm $0x7FFFFFFF  }
0xc9: {  	_ =	shalt  }
tec
execute0_lowered:
.L_overlay_start_1:
0x0: {  	(tag) =	ssettag $0x1  }
0x1: {  	s3 =	rddreg [dreg:$0x0]  }
0x2: {  	s8 =	rddreg [dreg:$0x1]  }
0x3: {  	s0 =	rddreg [dreg:$0x2];
	s1 =	simm.s32 $0x0  }
0x4: {  	s4 =	srdreg.scid;
	s2 =	stileid.u32;
	s12 =	simm.s32 $0x400  }
0x5: {  	[smem:$0x7FF] =	sst s1;
	s6 =	sadd.s32 $0x800, s3;
	s4 =	sand.u32 $0x1, s4  }
0x6: {  	s7 =	sshll.u32 s2, $0x8;
	s5 =	ssub.s32 $0x2, s4;
	s4 =	sshll.u32 s4, $0x7  }
0x7: {  	s9 =	sadd.s32 $0x1800, s3;
	s31 =	sshrl.u32 s5, $0x1;
	s7 =	sor.u32 s4, s7  }
0x8: {  	_ =	strace $0x80000047;
	s10 =	ssub.s32 s5, s31;
	s3 =	sadd.s32 s6, s7  }
0x9: {  	s11 =	sor.u32 $0x40, s7;
	s4 =	sadd.s32 s9, s7;
	s5 =	sadd.s32 s8, s7  }
0xa: {  	s6 =	sadd.s32 s6, s11;
	s7 =	sadd.s32 s9, s11;
	s8 =	sadd.s32 s8, s11  }
0xb: {  	v0 =	vimm.s32 $0xFFFFFFFF;
	s9 =	smax.u32 s10, $0x1;
	s10 =	simm.s32 $0x1;
	s11 =	simm.s32 $0x200  }
.LBB2_1:
0xc: {  	[tilespmem:s1], [sflag:$0x1] =	stream.linear.gather [hbm4b:s3+s1], $0x200, $0x38;
	[tilespmem:$0x680] =	vst v63  }
0xd: {  	_ =	swait.ge [sflag:s10], $0x200  }
0xe: {  	[sflag:s10] =	ssyncset.done $0x0  }
0xf: {  	[sflag:s10] =	ssyncadd.s32 $0xFFFFFE00  }
0x10: {  	[tilespmem:s11], [sflag:$0x1] =	stream.linear.gather [hbm4b:s4+s1], $0x200, $0x38;
	[tilespmem:$0x680] =	vst v63  }
0x11: {  	_ =	swait.ge [sflag:s10], $0x200  }
0x12: {  	[sflag:s10] =	ssyncset.done $0x0  }
0x13: {  	[sflag:s10] =	ssyncadd.s32 $0xFFFFFE00  }
0x14: {  	[tilespmem:$0x400] =	vst v0  }
0x15: {  	[tilespmem:$0x410] =	vst v0  }
0x16: {  	[tilespmem:$0x420] =	vst v0  }
0x17: {  	[tilespmem:$0x430] =	vst v0  }
0x18: {  	[tilespmem:$0x440] =	vst v0  }
0x19: {  	[tilespmem:$0x450] =	vst v0  }
0x1a: {  	[tilespmem:$0x460] =	vst v0  }
0x1b: {  	[tilespmem:$0x470] =	vst v0  }
0x1c: {  	[tilespmem:$0x480] =	vst v0  }
0x1d: {  	[tilespmem:$0x490] =	vst v0  }
0x1e: {  	[tilespmem:$0x4A0] =	vst v0  }
0x1f: {  	[tilespmem:$0x4B0] =	vst v0  }
0x20: {  	[tilespmem:$0x4C0] =	vst v0  }
0x21: {  	[tilespmem:$0x4D0] =	vst v0  }
0x22: {  	[tilespmem:$0x4E0] =	vst v0  }
0x23: {  	[tilespmem:$0x4F0] =	vst v0  }
0x24: {  	[tilespmem:$0x500] =	vst v0  }
0x25: {  	[tilespmem:$0x510] =	vst v0  }
0x26: {  	[tilespmem:$0x520] =	vst v0  }
0x27: {  	[tilespmem:$0x530] =	vst v0  }
0x28: {  	[tilespmem:$0x540] =	vst v0  }
0x29: {  	[tilespmem:$0x550] =	vst v0  }
0x2a: {  	[tilespmem:$0x560] =	vst v0;
	v1 =	vld [tilespmem:$0x0]  }
0x2b: {  	[tilespmem:$0x570] =	vst v0  }
0x2c: {  	[tilespmem:$0x580] =	vst v0  }
0x2d: {  	[tilespmem:$0x590] =	vst v0  }
0x2e: {  	[tilespmem:$0x5A0] =	vst v0  }
0x2f: {  	[tilespmem:$0x5B0] =	vst v0;
	vm0 =	vlt.s32 v1, $0x200  }
0x30: {  	[tilespmem:$0x5C0] =	vst v0;
	v2 =	vld [tilespmem:$0x200]  }
0x31: {  	[tilespmem:$0x5D0] =	vst v0  }
0x32: {  	[tilespmem:$0x5E0] =	vst v0  }
0x33: {  	[tilespmem:$0x5F0] =	vst v0  }
0x34: {  	[tilespmem:$0x600] =	vst v0  }
0x35: {  	[tilespmem:v1+s12+$0x0] =	vst.idx.msk vm0, v2  }
0x36: {  	v1 =	vld [tilespmem:$0x10];
	_ =	sdelay $0x4  }
0x37: {  	vm13 =	vlt.s32 v1, $0x200  }
0x38: {  	v2 =	vld [tilespmem:$0x210];
	_ =	sdelay $0x4  }
0x39: {  	[tilespmem:v1+s12+$0x0] =	vst.idx.msk vm13, v2  }
0x3a: {  	v1 =	vld [tilespmem:$0x20];
	_ =	sdelay $0x4  }
0x3b: {  	vm14 =	vlt.s32 v1, $0x200  }
0x3c: {  	v2 =	vld [tilespmem:$0x220];
	_ =	sdelay $0x4  }
0x3d: {  	[tilespmem:v1+s12+$0x0] =	vst.idx.msk vm14, v2  }
0x3e: {  	v1 =	vld [tilespmem:$0x30];
	_ =	sdelay $0x4  }
0x3f: {  	vm15 =	vlt.s32 v1, $0x200  }
0x40: {  	v2 =	vld [tilespmem:$0x230];
	_ =	sdelay $0x4  }
0x41: {  	[tilespmem:v1+s12+$0x0] =	vst.idx.msk vm15, v2  }
0x42: {  	v1 =	vld [tilespmem:$0x40];
	_ =	sdelay $0x4  }
0x43: {  	vm4 =	vlt.s32 v1, $0x200  }
0x44: {  	v2 =	vld [tilespmem:$0x240];
	_ =	sdelay $0x4  }
0x45: {  	[tilespmem:v1+s12+$0x0] =	vst.idx.msk vm4, v2  }
0x46: {  	v1 =	vld [tilespmem:$0x50];
	_ =	sdelay $0x4  }
0x47: {  	vm5 =	vlt.s32 v1, $0x200  }
0x48: {  	v2 =	vld [tilespmem:$0x250];
	_ =	sdelay $0x4  }
0x49: {  	[tilespmem:v1+s12+$0x0] =	vst.idx.msk vm5, v2  }
0x4a: {  	v1 =	vld [tilespmem:$0x60];
	_ =	sdelay $0x4  }
0x4b: {  	vm6 =	vlt.s32 v1, $0x200  }
0x4c: {  	v2 =	vld [tilespmem:$0x260];
	_ =	sdelay $0x4  }
0x4d: {  	[tilespmem:v1+s12+$0x0] =	vst.idx.msk vm6, v2  }
0x4e: {  	v1 =	vld [tilespmem:$0x70];
	_ =	sdelay $0x4  }
0x4f: {  	vm7 =	vlt.s32 v1, $0x200  }
0x50: {  	v2 =	vld [tilespmem:$0x270];
	_ =	sdelay $0x4  }
0x51: {  	[tilespmem:v1+s12+$0x0] =	vst.idx.msk vm7, v2  }
0x52: {  	v1 =	vld [tilespmem:$0x80];
	_ =	sdelay $0x4  }
0x53: {  	vm8 =	vlt.s32 v1, $0x200  }
0x54: {  	v2 =	vld [tilespmem:$0x280];
	_ =	sdelay $0x4  }
0x55: {  	[tilespmem:v1+s12+$0x0] =	vst.idx.msk vm8, v2  }
0x56: {  	v1 =	vld [tilespmem:$0x90];
	_ =	sdelay $0x4  }
0x57: {  	vm9 =	vlt.s32 v1, $0x200  }
0x58: {  	v2 =	vld [tilespmem:$0x290];
	_ =	sdelay $0x4  }
0x59: {  	[tilespmem:v1+s12+$0x0] =	vst.idx.msk vm9, v2  }
0x5a: {  	v1 =	vld [tilespmem:$0xA0];
	_ =	sdelay $0x4  }
0x5b: {  	vm10 =	vlt.s32 v1, $0x200  }
0x5c: {  	v2 =	vld [tilespmem:$0x2A0];
	_ =	sdelay $0x4  }
0x5d: {  	[tilespmem:v1+s12+$0x0] =	vst.idx.msk vm10, v2  }
0x5e: {  	v1 =	vld [tilespmem:$0xB0];
	_ =	sdelay $0x4  }
0x5f: {  	vm11 =	vlt.s32 v1, $0x200  }
0x60: {  	v2 =	vld [tilespmem:$0x2B0];
	_ =	sdelay $0x4  }
0x61: {  	[tilespmem:v1+s12+$0x0] =	vst.idx.msk vm11, v2  }
0x62: {  	v1 =	vld [tilespmem:$0xC0];
	_ =	sdelay $0x4  }
0x63: {  	vm12 =	vlt.s32 v1, $0x200  }
0x64: {  	v2 =	vld [tilespmem:$0x2C0];
	_ =	sdelay $0x4  }
0x65: {  	[tilespmem:v1+s12+$0x0] =	vst.idx.msk vm12, v2  }
0x66: {  	v1 =	vld [tilespmem:$0xD0];
	_ =	sdelay $0x4  }
0x67: {  	vm13 =	vlt.s32 v1, $0x200  }
0x68: {  	v2 =	vld [tilespmem:$0x2D0];
	_ =	sdelay $0x4  }
0x69: {  	[tilespmem:v1+s12+$0x0] =	vst.idx.msk vm13, v2  }
0x6a: {  	v1 =	vld [tilespmem:$0xE0];
	_ =	sdelay $0x4  }
0x6b: {  	vm14 =	vlt.s32 v1, $0x200  }
0x6c: {  	v2 =	vld [tilespmem:$0x2E0];
	_ =	sdelay $0x4  }
0x6d: {  	[tilespmem:v1+s12+$0x0] =	vst.idx.msk vm14, v2  }
0x6e: {  	v1 =	vld [tilespmem:$0xF0];
	_ =	sdelay $0x4  }
0x6f: {  	vm15 =	vlt.s32 v1, $0x200  }
0x70: {  	v2 =	vld [tilespmem:$0x2F0];
	_ =	sdelay $0x4  }
0x71: {  	[tilespmem:v1+s12+$0x0] =	vst.idx.msk vm15, v2  }
0x72: {  	v1 =	vld [tilespmem:$0x100];
	_ =	sdelay $0x4  }
0x73: {  	vm4 =	vlt.s32 v1, $0x200  }
0x74: {  	v2 =	vld [tilespmem:$0x300];
	_ =	sdelay $0x4  }
0x75: {  	[tilespmem:v1+s12+$0x0] =	vst.idx.msk vm4, v2  }
0x76: {  	v1 =	vld [tilespmem:$0x110];
	_ =	sdelay $0x4  }
0x77: {  	vm5 =	vlt.s32 v1, $0x200  }
0x78: {  	v2 =	vld [tilespmem:$0x310];
	_ =	sdelay $0x4  }
0x79: {  	[tilespmem:v1+s12+$0x0] =	vst.idx.msk vm5, v2  }
0x7a: {  	v1 =	vld [tilespmem:$0x120];
	_ =	sdelay $0x4  }
0x7b: {  	vm6 =	vlt.s32 v1, $0x200  }
0x7c: {  	v2 =	vld [tilespmem:$0x320];
	_ =	sdelay $0x4  }
0x7d: {  	[tilespmem:v1+s12+$0x0] =	vst.idx.msk vm6, v2  }
0x7e: {  	v1 =	vld [tilespmem:$0x130];
	_ =	sdelay $0x4  }
0x7f: {  	vm7 =	vlt.s32 v1, $0x200  }
0x80: {  	v2 =	vld [tilespmem:$0x330];
	_ =	sdelay $0x4  }
0x81: {  	[tilespmem:v1+s12+$0x0] =	vst.idx.msk vm7, v2  }
0x82: {  	v1 =	vld [tilespmem:$0x140];
	_ =	sdelay $0x4  }
0x83: {  	vm8 =	vlt.s32 v1, $0x200  }
0x84: {  	v2 =	vld [tilespmem:$0x340];
	_ =	sdelay $0x4  }
0x85: {  	[tilespmem:v1+s12+$0x0] =	vst.idx.msk vm8, v2  }
0x86: {  	v1 =	vld [tilespmem:$0x150];
	_ =	sdelay $0x4  }
0x87: {  	vm9 =	vlt.s32 v1, $0x200  }
0x88: {  	v2 =	vld [tilespmem:$0x350];
	_ =	sdelay $0x4  }
0x89: {  	[tilespmem:v1+s12+$0x0] =	vst.idx.msk vm9, v2  }
0x8a: {  	v1 =	vld [tilespmem:$0x160];
	_ =	sdelay $0x4  }
0x8b: {  	vm10 =	vlt.s32 v1, $0x200  }
0x8c: {  	v2 =	vld [tilespmem:$0x360];
	_ =	sdelay $0x4  }
0x8d: {  	[tilespmem:v1+s12+$0x0] =	vst.idx.msk vm10, v2  }
0x8e: {  	v1 =	vld [tilespmem:$0x170];
	_ =	sdelay $0x4  }
0x8f: {  	vm11 =	vlt.s32 v1, $0x200  }
0x90: {  	v2 =	vld [tilespmem:$0x370];
	_ =	sdelay $0x4  }
0x91: {  	[tilespmem:v1+s12+$0x0] =	vst.idx.msk vm11, v2  }
0x92: {  	v1 =	vld [tilespmem:$0x180];
	_ =	sdelay $0x4  }
0x93: {  	vm12 =	vlt.s32 v1, $0x200  }
0x94: {  	v2 =	vld [tilespmem:$0x380];
	_ =	sdelay $0x4  }
0x95: {  	[tilespmem:v1+s12+$0x0] =	vst.idx.msk vm12, v2  }
0x96: {  	v1 =	vld [tilespmem:$0x190];
	_ =	sdelay $0x4  }
0x97: {  	vm13 =	vlt.s32 v1, $0x200  }
0x98: {  	v2 =	vld [tilespmem:$0x390];
	_ =	sdelay $0x4  }
0x99: {  	[tilespmem:v1+s12+$0x0] =	vst.idx.msk vm13, v2  }
0x9a: {  	v1 =	vld [tilespmem:$0x1A0];
	_ =	sdelay $0x4  }
0x9b: {  	vm14 =	vlt.s32 v1, $0x200  }
0x9c: {  	v2 =	vld [tilespmem:$0x3A0];
	_ =	sdelay $0x4  }
0x9d: {  	[tilespmem:v1+s12+$0x0] =	vst.idx.msk vm14, v2  }
0x9e: {  	v1 =	vld [tilespmem:$0x1B0];
	_ =	sdelay $0x4  }
0x9f: {  	vm15 =	vlt.s32 v1, $0x200  }
0xa0: {  	v2 =	vld [tilespmem:$0x3B0];
	_ =	sdelay $0x4  }
0xa1: {  	[tilespmem:v1+s12+$0x0] =	vst.idx.msk vm15, v2  }
0xa2: {  	v1 =	vld [tilespmem:$0x1C0];
	_ =	sdelay $0x4  }
0xa3: {  	vm4 =	vlt.s32 v1, $0x200  }
0xa4: {  	v2 =	vld [tilespmem:$0x3C0];
	_ =	sdelay $0x4  }
0xa5: {  	[tilespmem:v1+s12+$0x0] =	vst.idx.msk vm4, v2  }
0xa6: {  	v1 =	vld [tilespmem:$0x1D0];
	_ =	sdelay $0x4  }
0xa7: {  	vm5 =	vlt.s32 v1, $0x200  }
0xa8: {  	v2 =	vld [tilespmem:$0x3D0];
	_ =	sdelay $0x4  }
0xa9: {  	[tilespmem:v1+s12+$0x0] =	vst.idx.msk vm5, v2  }
0xaa: {  	v1 =	vld [tilespmem:$0x1E0];
	_ =	sdelay $0x4  }
0xab: {  	vm6 =	vlt.s32 v1, $0x200  }
0xac: {  	v2 =	vld [tilespmem:$0x3E0];
	_ =	sdelay $0x4  }
0xad: {  	[tilespmem:v1+s12+$0x0] =	vst.idx.msk vm6, v2  }
0xae: {  	v1 =	vld [tilespmem:$0x1F0];
	_ =	sdelay $0x4  }
0xaf: {  	vm7 =	vlt.s32 v1, $0x200  }
0xb0: {  	v2 =	vld [tilespmem:$0x3F0];
	_ =	sdelay $0x4  }
0xb1: {  	[tilespmem:v1+s12+$0x0] =	vst.idx.msk vm7, v2  }
0xb2: {  	[hbm4b:s5+s1] =	stream.linear.scatter [tilespmem:s12], [sflag:$0x1], $0x200, $0x38;
	[tilespmem:$0x680] =	vst v63  }
0xb3: {  	_ =	swait.ge [sflag:s10], $0x200  }
0xb4: {  	[sflag:s10] =	ssyncset.done $0x0  }
0xb5: {  	[sflag:s10] =	ssyncadd.s32 $0xFFFFFE00  }
0xb6: {  	[tilespmem:s1], [sflag:$0x1] =	stream.linear.gather [hbm4b:s6+s1], $0x200, $0x38;
	[tilespmem:$0x680] =	vst v63  }
0xb7: {  	_ =	swait.ge [sflag:s10], $0x200  }
0xb8: {  	[sflag:s10] =	ssyncset.done $0x0  }
0xb9: {  	[sflag:s10] =	ssyncadd.s32 $0xFFFFFE00  }
0xba: {  	[tilespmem:s11], [sflag:$0x1] =	stream.linear.gather [hbm4b:s7+s1], $0x200, $0x38;
	[tilespmem:$0x680] =	vst v63  }
0xbb: {  	_ =	swait.ge [sflag:s10], $0x200  }
0xbc: {  	[sflag:s10] =	ssyncset.done $0x0  }
0xbd: {  	[sflag:s10] =	ssyncadd.s32 $0xFFFFFE00  }
0xbe: {  	[tilespmem:$0x400] =	vst v0  }
0xbf: {  	[tilespmem:$0x410] =	vst v0  }
0xc0: {  	[tilespmem:$0x420] =	vst v0  }
0xc1: {  	[tilespmem:$0x430] =	vst v0  }
0xc2: {  	[tilespmem:$0x440] =	vst v0  }
0xc3: {  	[tilespmem:$0x450] =	vst v0  }
0xc4: {  	[tilespmem:$0x460] =	vst v0  }
0xc5: {  	[tilespmem:$0x470] =	vst v0  }
0xc6: {  	[tilespmem:$0x480] =	vst v0  }
0xc7: {  	[tilespmem:$0x490] =	vst v0  }
0xc8: {  	[tilespmem:$0x4A0] =	vst v0  }
0xc9: {  	[tilespmem:$0x4B0] =	vst v0  }
0xca: {  	[tilespmem:$0x4C0] =	vst v0  }
0xcb: {  	[tilespmem:$0x4D0] =	vst v0  }
0xcc: {  	[tilespmem:$0x4E0] =	vst v0  }
0xcd: {  	[tilespmem:$0x4F0] =	vst v0  }
0xce: {  	[tilespmem:$0x500] =	vst v0  }
0xcf: {  	[tilespmem:$0x510] =	vst v0  }
0xd0: {  	[tilespmem:$0x520] =	vst v0  }
0xd1: {  	[tilespmem:$0x530] =	vst v0  }
0xd2: {  	[tilespmem:$0x540] =	vst v0  }
0xd3: {  	[tilespmem:$0x550] =	vst v0  }
0xd4: {  	[tilespmem:$0x560] =	vst v0;
	v1 =	vld [tilespmem:$0x0]  }
0xd5: {  	[tilespmem:$0x570] =	vst v0  }
0xd6: {  	[tilespmem:$0x580] =	vst v0  }
0xd7: {  	[tilespmem:$0x590] =	vst v0  }
0xd8: {  	[tilespmem:$0x5A0] =	vst v0  }
0xd9: {  	[tilespmem:$0x5B0] =	vst v0;
	vm8 =	vlt.s32 v1, $0x200  }
0xda: {  	[tilespmem:$0x5C0] =	vst v0;
	v2 =	vld [tilespmem:$0x200]  }
0xdb: {  	[tilespmem:$0x5D0] =	vst v0  }
0xdc: {  	[tilespmem:$0x5E0] =	vst v0  }
0xdd: {  	[tilespmem:$0x5F0] =	vst v0  }
0xde: {  	[tilespmem:$0x600] =	vst v0  }
0xdf: {  	[tilespmem:v1+s12+$0x0] =	vst.idx.msk vm8, v2  }
0xe0: {  	v1 =	vld [tilespmem:$0x10];
	_ =	sdelay $0x4  }
0xe1: {  	vm9 =	vlt.s32 v1, $0x200  }
0xe2: {  	v2 =	vld [tilespmem:$0x210];
	_ =	sdelay $0x4  }
0xe3: {  	[tilespmem:v1+s12+$0x0] =	vst.idx.msk vm9, v2  }
0xe4: {  	v1 =	vld [tilespmem:$0x20];
	_ =	sdelay $0x4  }
0xe5: {  	vm10 =	vlt.s32 v1, $0x200  }
0xe6: {  	v2 =	vld [tilespmem:$0x220];
	_ =	sdelay $0x4  }
0xe7: {  	[tilespmem:v1+s12+$0x0] =	vst.idx.msk vm10, v2  }
0xe8: {  	v1 =	vld [tilespmem:$0x30];
	_ =	sdelay $0x4  }
0xe9: {  	vm11 =	vlt.s32 v1, $0x200  }
0xea: {  	v2 =	vld [tilespmem:$0x230];
	_ =	sdelay $0x4  }
0xeb: {  	[tilespmem:v1+s12+$0x0] =	vst.idx.msk vm11, v2  }
0xec: {  	v1 =	vld [tilespmem:$0x40];
	_ =	sdelay $0x4  }
0xed: {  	vm12 =	vlt.s32 v1, $0x200  }
0xee: {  	v2 =	vld [tilespmem:$0x240];
	_ =	sdelay $0x4  }
0xef: {  	[tilespmem:v1+s12+$0x0] =	vst.idx.msk vm12, v2  }
0xf0: {  	v1 =	vld [tilespmem:$0x50];
	_ =	sdelay $0x4  }
0xf1: {  	vm13 =	vlt.s32 v1, $0x200  }
0xf2: {  	v2 =	vld [tilespmem:$0x250];
	_ =	sdelay $0x4  }
0xf3: {  	[tilespmem:v1+s12+$0x0] =	vst.idx.msk vm13, v2  }
0xf4: {  	v1 =	vld [tilespmem:$0x60];
	_ =	sdelay $0x4  }
0xf5: {  	vm14 =	vlt.s32 v1, $0x200  }
0xf6: {  	v2 =	vld [tilespmem:$0x260];
	_ =	sdelay $0x4  }
0xf7: {  	[tilespmem:v1+s12+$0x0] =	vst.idx.msk vm14, v2  }
0xf8: {  	v1 =	vld [tilespmem:$0x70];
	_ =	sdelay $0x4  }
0xf9: {  	vm15 =	vlt.s32 v1, $0x200  }
0xfa: {  	v2 =	vld [tilespmem:$0x270];
	_ =	sdelay $0x4  }
0xfb: {  	[tilespmem:v1+s12+$0x0] =	vst.idx.msk vm15, v2  }
0xfc: {  	v1 =	vld [tilespmem:$0x80];
	_ =	sdelay $0x4  }
0xfd: {  	vm4 =	vlt.s32 v1, $0x200  }
0xfe: {  	v2 =	vld [tilespmem:$0x280];
	_ =	sdelay $0x4  }
0xff: {  	[tilespmem:v1+s12+$0x0] =	vst.idx.msk vm4, v2  }
0x100: {  	v1 =	vld [tilespmem:$0x90];
	_ =	sdelay $0x4  }
0x101: {  	vm5 =	vlt.s32 v1, $0x200  }
0x102: {  	v2 =	vld [tilespmem:$0x290];
	_ =	sdelay $0x4  }
0x103: {  	[tilespmem:v1+s12+$0x0] =	vst.idx.msk vm5, v2  }
0x104: {  	v1 =	vld [tilespmem:$0xA0];
	_ =	sdelay $0x4  }
0x105: {  	vm6 =	vlt.s32 v1, $0x200  }
0x106: {  	v2 =	vld [tilespmem:$0x2A0];
	_ =	sdelay $0x4  }
0x107: {  	[tilespmem:v1+s12+$0x0] =	vst.idx.msk vm6, v2  }
0x108: {  	v1 =	vld [tilespmem:$0xB0];
	_ =	sdelay $0x4  }
0x109: {  	vm7 =	vlt.s32 v1, $0x200  }
0x10a: {  	v2 =	vld [tilespmem:$0x2B0];
	_ =	sdelay $0x4  }
0x10b: {  	[tilespmem:v1+s12+$0x0] =	vst.idx.msk vm7, v2  }
0x10c: {  	v1 =	vld [tilespmem:$0xC0];
	_ =	sdelay $0x4  }
0x10d: {  	vm8 =	vlt.s32 v1, $0x200  }
0x10e: {  	v2 =	vld [tilespmem:$0x2C0];
	_ =	sdelay $0x4  }
0x10f: {  	[tilespmem:v1+s12+$0x0] =	vst.idx.msk vm8, v2  }
0x110: {  	v1 =	vld [tilespmem:$0xD0];
	_ =	sdelay $0x4  }
0x111: {  	vm9 =	vlt.s32 v1, $0x200  }
0x112: {  	v2 =	vld [tilespmem:$0x2D0];
	_ =	sdelay $0x4  }
0x113: {  	[tilespmem:v1+s12+$0x0] =	vst.idx.msk vm9, v2  }
0x114: {  	v1 =	vld [tilespmem:$0xE0];
	_ =	sdelay $0x4  }
0x115: {  	vm10 =	vlt.s32 v1, $0x200  }
0x116: {  	v2 =	vld [tilespmem:$0x2E0];
	_ =	sdelay $0x4  }
0x117: {  	[tilespmem:v1+s12+$0x0] =	vst.idx.msk vm10, v2  }
0x118: {  	v1 =	vld [tilespmem:$0xF0];
	_ =	sdelay $0x4  }
0x119: {  	vm11 =	vlt.s32 v1, $0x200  }
0x11a: {  	v2 =	vld [tilespmem:$0x2F0];
	_ =	sdelay $0x4  }
0x11b: {  	[tilespmem:v1+s12+$0x0] =	vst.idx.msk vm11, v2  }
0x11c: {  	v1 =	vld [tilespmem:$0x100];
	_ =	sdelay $0x4  }
0x11d: {  	vm12 =	vlt.s32 v1, $0x200  }
0x11e: {  	v2 =	vld [tilespmem:$0x300];
	_ =	sdelay $0x4  }
0x11f: {  	[tilespmem:v1+s12+$0x0] =	vst.idx.msk vm12, v2  }
0x120: {  	v1 =	vld [tilespmem:$0x110];
	_ =	sdelay $0x4  }
0x121: {  	vm13 =	vlt.s32 v1, $0x200  }
0x122: {  	v2 =	vld [tilespmem:$0x310];
	_ =	sdelay $0x4  }
0x123: {  	[tilespmem:v1+s12+$0x0] =	vst.idx.msk vm13, v2  }
0x124: {  	v1 =	vld [tilespmem:$0x120];
	_ =	sdelay $0x4  }
0x125: {  	vm14 =	vlt.s32 v1, $0x200  }
0x126: {  	v2 =	vld [tilespmem:$0x320];
	_ =	sdelay $0x4  }
0x127: {  	[tilespmem:v1+s12+$0x0] =	vst.idx.msk vm14, v2  }
0x128: {  	v1 =	vld [tilespmem:$0x130];
	_ =	sdelay $0x4  }
0x129: {  	vm15 =	vlt.s32 v1, $0x200  }
0x12a: {  	v2 =	vld [tilespmem:$0x330];
	_ =	sdelay $0x4  }
0x12b: {  	[tilespmem:v1+s12+$0x0] =	vst.idx.msk vm15, v2  }
0x12c: {  	v1 =	vld [tilespmem:$0x140];
	_ =	sdelay $0x4  }
0x12d: {  	vm4 =	vlt.s32 v1, $0x200  }
0x12e: {  	v2 =	vld [tilespmem:$0x340];
	_ =	sdelay $0x4  }
0x12f: {  	[tilespmem:v1+s12+$0x0] =	vst.idx.msk vm4, v2  }
0x130: {  	v1 =	vld [tilespmem:$0x150];
	_ =	sdelay $0x4  }
0x131: {  	vm5 =	vlt.s32 v1, $0x200  }
0x132: {  	v2 =	vld [tilespmem:$0x350];
	_ =	sdelay $0x4  }
0x133: {  	[tilespmem:v1+s12+$0x0] =	vst.idx.msk vm5, v2  }
0x134: {  	v1 =	vld [tilespmem:$0x160];
	_ =	sdelay $0x4  }
0x135: {  	vm6 =	vlt.s32 v1, $0x200  }
0x136: {  	v2 =	vld [tilespmem:$0x360];
	_ =	sdelay $0x4  }
0x137: {  	[tilespmem:v1+s12+$0x0] =	vst.idx.msk vm6, v2  }
0x138: {  	v1 =	vld [tilespmem:$0x170];
	_ =	sdelay $0x4  }
0x139: {  	vm7 =	vlt.s32 v1, $0x200  }
0x13a: {  	v2 =	vld [tilespmem:$0x370];
	_ =	sdelay $0x4  }
0x13b: {  	[tilespmem:v1+s12+$0x0] =	vst.idx.msk vm7, v2  }
0x13c: {  	v1 =	vld [tilespmem:$0x180];
	_ =	sdelay $0x4  }
0x13d: {  	vm8 =	vlt.s32 v1, $0x200  }
0x13e: {  	v2 =	vld [tilespmem:$0x380];
	_ =	sdelay $0x4  }
0x13f: {  	[tilespmem:v1+s12+$0x0] =	vst.idx.msk vm8, v2  }
0x140: {  	v1 =	vld [tilespmem:$0x190];
	_ =	sdelay $0x4  }
0x141: {  	vm9 =	vlt.s32 v1, $0x200  }
0x142: {  	v2 =	vld [tilespmem:$0x390];
	_ =	sdelay $0x4  }
0x143: {  	[tilespmem:v1+s12+$0x0] =	vst.idx.msk vm9, v2  }
0x144: {  	v1 =	vld [tilespmem:$0x1A0];
	_ =	sdelay $0x4  }
0x145: {  	vm10 =	vlt.s32 v1, $0x200  }
0x146: {  	v2 =	vld [tilespmem:$0x3A0];
	_ =	sdelay $0x4  }
0x147: {  	[tilespmem:v1+s12+$0x0] =	vst.idx.msk vm10, v2  }
0x148: {  	v1 =	vld [tilespmem:$0x1B0];
	_ =	sdelay $0x4  }
0x149: {  	vm11 =	vlt.s32 v1, $0x200  }
0x14a: {  	v2 =	vld [tilespmem:$0x3B0];
	_ =	sdelay $0x4  }
0x14b: {  	[tilespmem:v1+s12+$0x0] =	vst.idx.msk vm11, v2  }
0x14c: {  	v1 =	vld [tilespmem:$0x1C0];
	_ =	sdelay $0x4  }
0x14d: {  	vm12 =	vlt.s32 v1, $0x200  }
0x14e: {  	v2 =	vld [tilespmem:$0x3C0];
	_ =	sdelay $0x4  }
0x14f: {  	[tilespmem:v1+s12+$0x0] =	vst.idx.msk vm12, v2  }
0x150: {  	v1 =	vld [tilespmem:$0x1D0];
	_ =	sdelay $0x4  }
0x151: {  	vm13 =	vlt.s32 v1, $0x200  }
0x152: {  	v2 =	vld [tilespmem:$0x3D0];
	_ =	sdelay $0x4  }
0x153: {  	[tilespmem:v1+s12+$0x0] =	vst.idx.msk vm13, v2  }
0x154: {  	v1 =	vld [tilespmem:$0x1E0];
	_ =	sdelay $0x4  }
0x155: {  	vm14 =	vlt.s32 v1, $0x200  }
0x156: {  	v2 =	vld [tilespmem:$0x3E0];
	_ =	sdelay $0x4  }
0x157: {  	[tilespmem:v1+s12+$0x0] =	vst.idx.msk vm14, v2  }
0x158: {  	v1 =	vld [tilespmem:$0x1F0];
	_ =	sdelay $0x4  }
0x159: {  	vm15 =	vlt.s32 v1, $0x200  }
0x15a: {  	v2 =	vld [tilespmem:$0x3F0];
	_ =	sdelay $0x3  }
0x15b: {  	p0 =	sne.s32 s9, $0x1  }
.Ltmp0:
0x15c: {  	[tilespmem:v1+s12+$0x0] =	vst.idx.msk vm15, v2;
	(pc) =	sbr.rel @p0 .LBB2_1-.Ltmp0, $4  }
0x15d: {  	[hbm4b:s8+s1] =	stream.linear.scatter [tilespmem:s12], [sflag:$0x1], $0x200, $0x38;
	[tilespmem:$0x680] =	vst v63  }
0x15e: {  	_ =	swait.ge [sflag:s10], $0x200  }
0x15f: {  	[sflag:s10] =	ssyncset.done $0x0  }
0x160: {  	s9 =	sadd.s32 $0xFFFFFFFF, s9;
	[sflag:s10] =	ssyncadd.s32 $0xFFFFFE00  }
0x161: {  	_ =	sfence.sel $0x180000  }
0x162: {  	[bflag:$0x0] =	sbarrier.arrive $0xFFFF  }
0x163: {  	p0 =	sne.s32 s2, $0x0;
	_ =	strace $0x90000047  }
0x164: {  	s0 =	sadd.s32 @!p0 $0x100000, s0;
	[bflag:$0x2] =	sbarrier.arrive $0xFFFF  }
0x165: {  	[sflag:s0] =	ssyncadd.tile.s32 @!p0 $0x1;
	_ =	shalt  }
.Lfunc_end2:
_tile_overlayer_lowered:
.L_overlay_start_2:
0x166: {  	(tag) =	ssettag $0x2  }
0x167: {  	s0 =	rddreg [dreg:$0x0];
	s2 =	stileid.u32  }
0x168: {  	s1 =	rddreg [dreg:$0x1];
	p0 =	sne.s32 s2, $0x0  }
0x169: {  	s3 =	rddreg [dreg:$0x2];
	[bflag:$0x3] =	sbarrier.arrive $0xFFFF;
	s2 =	simm.s32 @!p0 $0x1C01  }
0x16a: {  	[timem:s3], [sflag:s2] =	dma.local @!p0 [hbm:s0], s1  }
0x16b: {  	s0 =	simm.s32 @!p0 $0x1  }
0x16c: {  	_ =	swait.ge @!p0 [sflag:s0], s1  }
0x16d: {  	s1 =	ssub.s32 @!p0 $0x0, s1;
	[sflag:s0] =	ssyncset.done @!p0 $0x0  }
0x16e: {  	[sflag:s0] =	ssyncadd.s32 @!p0 s1  }
0x16f: {  	[bflag:$0x3] =	sbarrier.arrive $0xFFFF  }
0x170: {  	_ =	shalt  }

</sc_bundles>
